<compile_context>
chip_gen: v7x
topology: tpu7x:2x2x1
jax: 0.10.2.dev20260603
libtpu: 0.0.44.dev20260713+nightly
codegen_flags: <defaults>
</compile_context>

<pallas_src>
import functools

import jax
import jax.numpy as jnp
from jax import lax
from jax.experimental import pallas as pl
from jax.experimental.pallas import tpu as pltpu
from jax.experimental.pallas import tpu_sc as plsc

D = 64
B0, B1 = 4096, 200


@jax.jit
def _embedding_lookup(idx_flat, t128):
    info = plsc.get_sparse_core_info()
    nc = info.num_cores
    nw = nc * info.num_subcores
    bpw = B0 // nw

    mesh = plsc.VectorSubcoreMesh(core_axis_name="c", subcore_axis_name="s")

    @functools.partial(
        pl.kernel,
        mesh=mesh,
        out_type=jax.ShapeDtypeStruct((B0, B1, D), jnp.float32),
        scratch_types=[
            pltpu.VMEM((B1,), jnp.int32),
            pltpu.VMEM((B1,), jnp.int32),
            pltpu.VMEM((B1, 128), jnp.float32),
            pltpu.VMEM((B1, 128), jnp.float32),
            pltpu.VMEM((B1, D), jnp.float32),
            pltpu.SemaphoreType.DMA,
            pltpu.SemaphoreType.DMA,
        ],
        compiler_params=pltpu.CompilerParams(
            use_tc_tiling_on_sc=True, needs_layout_passes=False),
    )
    def gather(t128_hbm, idx_hbm, out_hbm, idx0, idx1, g0, g1, b64, s0, s1):
        wid = lax.axis_index("s") * nc + lax.axis_index("c")
        base = wid * bpw
        idx_b = (idx0, idx1)
        g_b = (g0, g1)
        s_b = (s0, s1)

        def start(j, p):
            pltpu.sync_copy(idx_hbm.at[pl.ds((base + j) * B1, B1)], idx_b[p])
            pltpu.make_async_copy(t128_hbm.at[idx_b[p]], g_b[p], s_b[p]).start()

        def finish(j, p):
            pltpu.make_async_copy(t128_hbm.at[idx_b[p]], g_b[p], s_b[p]).wait()
            src = g_b[p]

            def rows(u, c2):
                for rr in range(8):
                    i = u * 8 + rr
                    for ch in range(D // 16):
                        b64[i, pl.ds(ch * 16, 16)] = src[i, pl.ds(ch * 16, 16)]
                return c2

            lax.fori_loop(0, B1 // 8, rows, 0)
            pltpu.sync_copy(b64, out_hbm.at[base + j])

        start(0, 0)

        def body(h, c):
            j0 = 2 * h
            start(j0 + 1, 1)
            finish(j0, 0)

            @pl.when(h < bpw // 2 - 1)
            def _():
                start(j0 + 2, 0)

            finish(j0 + 1, 1)
            return c

        lax.fori_loop(0, bpw // 2, body, 0)

    return gather(t128, idx_flat)


def kernel(x, table):
    t128 = jnp.pad(table, ((0, 0), (0, 128 - D)))
    return _embedding_lookup(x.reshape(-1), t128)

# --- scband reference (transcript-rebuilt; emitter-appended) ---
"""Pipeline reference for scband-trainable-embedding-27419071217855 (READ-ONLY COPY).

The authoritative reference and input builder live on the scoring server;
editing this copy changes nothing except your own understanding.
"""

import jax, jax.numpy as jnp
import numpy as np

VOCAB = 1000000
D_MODEL = 64
PADDING_IDX = 0
MULTIPLY_BY_SQRT_D = False


def setup_inputs(seed: int = 0) -> dict:
    key = jax.random.key(seed)
    k_idx, k_tab = jax.random.split(key)
    x = jax.random.randint(k_idx, (4096, 200), 0, VOCAB, dtype=jnp.int64 if jax.config.jax_enable_x64 else jnp.int32).astype(jnp.int32)
    table = jax.random.normal(k_tab, (VOCAB, D_MODEL), dtype=jnp.float32)
    # nn.Embedding with padding_idx zeroes that row at init
    table = table.at[PADDING_IDX].set(0.0)
    return {"x": x, "table": table}


def reference(x, table):
    # Faithful to TrainableEmbedding.forward: embedding lookup (gather),
    # optional * sqrt(d_model). NaN checks are runtime asserts, not math.
    rv = jnp.take(table, x, axis=0)
    if MULTIPLY_BY_SQRT_D:
        rv = rv * jnp.sqrt(jnp.float32(D_MODEL))
    return rv

if __name__ == "__main__":
    import jax
    _d = setup_inputs()
    print(jax.jit(kernel)(*tuple(_d.values())))

</pallas_src>

<mosaic_0001>
#map = affine_map<(d0, d1) -> (0, 0)>
#map1 = affine_map<(d0, d1) -> (0)>
#map2 = affine_map<(d0, d1) -> (0, 0, 0)>
module attributes {stable_mosaic.version = 14 : i64} {
  func.func @gather(%arg0: i32, %arg1: i32, %arg2: memref<1000000x128xf32, #tpu.memory_space<hbm>>, %arg3: memref<819200xi32, #tpu.memory_space<hbm>>, %arg4: memref<4096x200x64xf32, #tpu.memory_space<hbm>>, %arg5: memref<200xi32, #tpu.memory_space<vmem>>, %arg6: memref<200xi32, #tpu.memory_space<vmem>>, %arg7: memref<200x128xf32, #tpu.memory_space<vmem>>, %arg8: memref<200x128xf32, #tpu.memory_space<vmem>>, %arg9: memref<200x64xf32, #tpu.memory_space<vmem>>, %arg10: memref<!tpu.dma_semaphore, #tpu.memory_space<semaphore_mem>>, %arg11: memref<!tpu.dma_semaphore, #tpu.memory_space<semaphore_mem>>) attributes {dimension_semantics = [#tpu.dimension_semantics<core_parallel>, #tpu.dimension_semantics<subcore_parallel>], iteration_bounds = array<i64: 2, 16>, scalar_prefetch = 0 : i64, scratch_operands = 7 : i64, tpu.core_type = #tpu.core_type<sc_vector_subcore>, window_params = [{transform_indices = #map}, {transform_indices = #map1}, {transform_indices = #map2}]} {
    %mul3A = arith.constant 2 : i32
    %mul3A_0 = arith.muli %arg1, %mul3A : i32
    %add3A = arith.addi %mul3A_0, %arg0 : i32
    %mul3A_1 = arith.constant 128 : i32
    %mul3A_2 = arith.muli %add3A, %mul3A_1 : i32
    %add3A_3 = arith.constant 0 : i32
    %add3A_4 = arith.addi %mul3A_2, %add3A_3 : i32
    %mul3A_5 = arith.constant 200 : i32
    %mul3A_6 = arith.muli %add3A_4, %mul3A_5 : i32
    "tpu.region"() ({
      %run_scoped3A = tpu.sem_alloc : memref<!tpu.dma_semaphore, #tpu.memory_space<semaphore_mem>>
      %dma_start3A_14 = tpu.memref_slice %arg3[%mul3A_6] : memref<819200xi32, #tpu.memory_space<hbm>> -> memref<200xi32, #tpu.memory_space<hbm>>
      %dma_start3A_15 = tpu.memref_slice %arg3[%mul3A_6] : memref<819200xi32, #tpu.memory_space<hbm>> -> memref<200xi32, #tpu.memory_space<hbm>>
      tpu.enqueue_dma source(%dma_start3A_15 : memref<200xi32, #tpu.memory_space<hbm>>) target(%arg5 : memref<200xi32, #tpu.memory_space<vmem>>) target_semaphore(%run_scoped3A : memref<!tpu.dma_semaphore, #tpu.memory_space<semaphore_mem>>)
      %dma_wait3A = tpu.memref_slice %arg3[%mul3A_6] : memref<819200xi32, #tpu.memory_space<hbm>> -> memref<200xi32, #tpu.memory_space<hbm>>
      %dma_wait3A_16 = tpu.memref_slice %arg3[%mul3A_6] : memref<819200xi32, #tpu.memory_space<hbm>> -> memref<200xi32, #tpu.memory_space<hbm>>
      tpu.wait_dma2 semaphore(%run_scoped3A : memref<!tpu.dma_semaphore, #tpu.memory_space<semaphore_mem>>) src(%dma_wait3A_16 : memref<200xi32, #tpu.memory_space<hbm>>) dst(%arg5 : memref<200xi32, #tpu.memory_space<vmem>>)
      tpu.yield
    }) : () -> ()
    %dma_start3A = arith.constant 0 : i32
    %dma_start3A_7 = arith.constant 0 : i32
    %dma_start3A_8 = tpu.memref_slice %arg2[%dma_start3A, %dma_start3A_7] : memref<1000000x128xf32, #tpu.memory_space<hbm>> -> memref<1000000x128xf32, #tpu.memory_space<hbm>>
    tpu.enqueue_indirect_dma source(%dma_start3A_8 : memref<1000000x128xf32, #tpu.memory_space<hbm>>) target(%arg7 : memref<200x128xf32, #tpu.memory_space<vmem>>) offsets(%arg5 : memref<200xi32, #tpu.memory_space<vmem>>) semaphore(%arg10 : memref<!tpu.dma_semaphore, #tpu.memory_space<semaphore_mem>>)
    %scan3A = arith.constant 0 : i32
    %scan3A_9 = arith.constant 0 : i32
    %scan3A_10 = arith.constant 64 : i32
    %scan3A_11 = arith.addi %scan3A_9, %scan3A_10 : i32
    %scan3A_12 = arith.constant 1 : i32
    scf.for %scan3A_14 = %scan3A_9 to %scan3A_11 step %scan3A_12  : i32 {
      %mul3A_15 = arith.constant 2 : i32
      %mul3A_16 = arith.muli %mul3A_15, %scan3A_14 : i32
      %add3A_17 = arith.constant 1 : i32
      %add3A_18 = arith.addi %mul3A_16, %add3A_17 : i32
      %add3A_19 = arith.addi %mul3A_2, %add3A_18 : i32
      %mul3A_20 = arith.constant 200 : i32
      %mul3A_21 = arith.muli %add3A_19, %mul3A_20 : i32
      "tpu.region"() ({
        %run_scoped3A = tpu.sem_alloc : memref<!tpu.dma_semaphore, #tpu.memory_space<semaphore_mem>>
        %dma_start3A_48 = tpu.memref_slice %arg3[%mul3A_21] : memref<819200xi32, #tpu.memory_space<hbm>> -> memref<200xi32, #tpu.memory_space<hbm>>
        %dma_start3A_49 = tpu.memref_slice %arg3[%mul3A_21] : memref<819200xi32, #tpu.memory_space<hbm>> -> memref<200xi32, #tpu.memory_space<hbm>>
        tpu.enqueue_dma source(%dma_start3A_49 : memref<200xi32, #tpu.memory_space<hbm>>) target(%arg6 : memref<200xi32, #tpu.memory_space<vmem>>) target_semaphore(%run_scoped3A : memref<!tpu.dma_semaphore, #tpu.memory_space<semaphore_mem>>)
        %dma_wait3A_50 = tpu.memref_slice %arg3[%mul3A_21] : memref<819200xi32, #tpu.memory_space<hbm>> -> memref<200xi32, #tpu.memory_space<hbm>>
        %dma_wait3A_51 = tpu.memref_slice %arg3[%mul3A_21] : memref<819200xi32, #tpu.memory_space<hbm>> -> memref<200xi32, #tpu.memory_space<hbm>>
        tpu.wait_dma2 semaphore(%run_scoped3A : memref<!tpu.dma_semaphore, #tpu.memory_space<semaphore_mem>>) src(%dma_wait3A_51 : memref<200xi32, #tpu.memory_space<hbm>>) dst(%arg6 : memref<200xi32, #tpu.memory_space<vmem>>)
        tpu.yield
      }) : () -> ()
      %dma_start3A_22 = arith.constant 0 : i32
      %dma_start3A_23 = arith.constant 0 : i32
      %dma_start3A_24 = tpu.memref_slice %arg2[%dma_start3A_22, %dma_start3A_23] : memref<1000000x128xf32, #tpu.memory_space<hbm>> -> memref<1000000x128xf32, #tpu.memory_space<hbm>>
      tpu.enqueue_indirect_dma source(%dma_start3A_24 : memref<1000000x128xf32, #tpu.memory_space<hbm>>) target(%arg8 : memref<200x128xf32, #tpu.memory_space<vmem>>) offsets(%arg6 : memref<200xi32, #tpu.memory_space<vmem>>) semaphore(%arg11 : memref<!tpu.dma_semaphore, #tpu.memory_space<semaphore_mem>>)
      %dma_wait3A = arith.constant 0 : i32
      %dma_wait3A_25 = arith.constant 0 : i32
      %dma_wait3A_26 = tpu.memref_slice %arg2[%dma_wait3A, %dma_wait3A_25] : memref<1000000x128xf32, #tpu.memory_space<hbm>> -> memref<1000000x128xf32, #tpu.memory_space<hbm>>
      tpu.wait_indirect_dma semaphore(%arg10 : memref<!tpu.dma_semaphore, #tpu.memory_space<semaphore_mem>>) src(%dma_wait3A_26 : memref<1000000x128xf32, #tpu.memory_space<hbm>>) dst(%arg7 : memref<200x128xf32, #tpu.memory_space<vmem>>)
      %scan3A_27 = arith.constant 0 : i32
      %scan3A_28 = arith.constant 0 : i32
      %scan3A_29 = arith.constant 25 : i32
      %scan3A_30 = arith.addi %scan3A_28, %scan3A_29 : i32
      %scan3A_31 = arith.constant 1 : i32
      scf.for %scan3A_48 = %scan3A_28 to %scan3A_30 step %scan3A_31  : i32 {
        %mul3A_49 = arith.constant 8 : i32
        %mul3A_50 = arith.muli %scan3A_48, %mul3A_49 : i32
        %add3A_51 = arith.constant 0 : i32
        %add3A_52 = arith.addi %mul3A_50, %add3A_51 : i32
        %get3A = arith.index_cast %add3A_52 : i32 to index
        %get3A_53 = arith.constant 0 : index
        %get3A_54 = tpu.vector_load %arg7[%get3A, %get3A_53] {strides = array<i32>} : memref<200x128xf32, #tpu.memory_space<vmem>>, vector<16xf32>,
        %swap3A = arith.index_cast %add3A_52 : i32 to index
        %swap3A_55 = arith.constant 0 : index
        %swap3A_56 = tpu.vector_load %arg9[%swap3A, %swap3A_55] {strides = array<i32>} : memref<200x64xf32, #tpu.memory_space<vmem>>, vector<16xf32>,
        tpu.vector_store %arg9[%swap3A, %swap3A_55], %get3A_54 {strides = array<i32>} : memref<200x64xf32, #tpu.memory_space<vmem>>, vector<16xf32>,
        %get3A_57 = arith.index_cast %add3A_52 : i32 to index
        %get3A_58 = arith.constant 16 : index
        %get3A_59 = tpu.vector_load %arg7[%get3A_57, %get3A_58] {strides = array<i32>} : memref<200x128xf32, #tpu.memory_space<vmem>>, vector<16xf32>,
        %swap3A_60 = arith.index_cast %add3A_52 : i32 to index
        %swap3A_61 = arith.constant 16 : index
        %swap3A_62 = tpu.vector_load %arg9[%swap3A_60, %swap3A_61] {strides = array<i32>} : memref<200x64xf32, #tpu.memory_space<vmem>>, vector<16xf32>,
        tpu.vector_store %arg9[%swap3A_60, %swap3A_61], %get3A_59 {strides = array<i32>} : memref<200x64xf32, #tpu.memory_space<vmem>>, vector<16xf32>,
        %get3A_63 = arith.index_cast %add3A_52 : i32 to index
        %get3A_64 = arith.constant 32 : index
        %get3A_65 = tpu.vector_load %arg7[%get3A_63, %get3A_64] {strides = array<i32>} : memref<200x128xf32, #tpu.memory_space<vmem>>, vector<16xf32>,
        %swap3A_66 = arith.index_cast %add3A_52 : i32 to index
        %swap3A_67 = arith.constant 32 : index
        %swap3A_68 = tpu.vector_load %arg9[%swap3A_66, %swap3A_67] {strides = array<i32>} : memref<200x64xf32, #tpu.memory_space<vmem>>, vector<16xf32>,
        tpu.vector_store %arg9[%swap3A_66, %swap3A_67], %get3A_65 {strides = array<i32>} : memref<200x64xf32, #tpu.memory_space<vmem>>, vector<16xf32>,
        %get3A_69 = arith.index_cast %add3A_52 : i32 to index
        %get3A_70 = arith.constant 48 : index
        %get3A_71 = tpu.vector_load %arg7[%get3A_69, %get3A_70] {strides = array<i32>} : memref<200x128xf32, #tpu.memory_space<vmem>>, vector<16xf32>,
        %swap3A_72 = arith.index_cast %add3A_52 : i32 to index
        %swap3A_73 = arith.constant 48 : index
        %swap3A_74 = tpu.vector_load %arg9[%swap3A_72, %swap3A_73] {strides = array<i32>} : memref<200x64xf32, #tpu.memory_space<vmem>>, vector<16xf32>,
        tpu.vector_store %arg9[%swap3A_72, %swap3A_73], %get3A_71 {strides = array<i32>} : memref<200x64xf32, #tpu.memory_space<vmem>>, vector<16xf32>,
        %mul3A_75 = arith.constant 8 : i32
        %mul3A_76 = arith.muli %scan3A_48, %mul3A_75 : i32
        %add3A_77 = arith.constant 1 : i32
        %add3A_78 = arith.addi %mul3A_76, %add3A_77 : i32
        %get3A_79 = arith.index_cast %add3A_78 : i32 to index
        %get3A_80 = arith.constant 0 : index
        %get3A_81 = tpu.vector_load %arg7[%get3A_79, %get3A_80] {strides = array<i32>} : memref<200x128xf32, #tpu.memory_space<vmem>>, vector<16xf32>,
        %swap3A_82 = arith.index_cast %add3A_78 : i32 to index
        %swap3A_83 = arith.constant 0 : index
        %swap3A_84 = tpu.vector_load %arg9[%swap3A_82, %swap3A_83] {strides = array<i32>} : memref<200x64xf32, #tpu.memory_space<vmem>>, vector<16xf32>,
        tpu.vector_store %arg9[%swap3A_82, %swap3A_83], %get3A_81 {strides = array<i32>} : memref<200x64xf32, #tpu.memory_space<vmem>>, vector<16xf32>,
        %get3A_85 = arith.index_cast %add3A_78 : i32 to index
        %get3A_86 = arith.constant 16 : index
        %get3A_87 = tpu.vector_load %arg7[%get3A_85, %get3A_86] {strides = array<i32>} : memref<200x128xf32, #tpu.memory_space<vmem>>, vector<16xf32>,
        %swap3A_88 = arith.index_cast %add3A_78 : i32 to index
        %swap3A_89 = arith.constant 16 : index
        %swap3A_90 = tpu.vector_load %arg9[%swap3A_88, %swap3A_89] {strides = array<i32>} : memref<200x64xf32, #tpu.memory_space<vmem>>, vector<16xf32>,
        tpu.vector_store %arg9[%swap3A_88, %swap3A_89], %get3A_87 {strides = array<i32>} : memref<200x64xf32, #tpu.memory_space<vmem>>, vector<16xf32>,
        %get3A_91 = arith.index_cast %add3A_78 : i32 to index
        %get3A_92 = arith.constant 32 : index
        %get3A_93 = tpu.vector_load %arg7[%get3A_91, %get3A_92] {strides = array<i32>} : memref<200x128xf32, #tpu.memory_space<vmem>>, vector<16xf32>,
        %swap3A_94 = arith.index_cast %add3A_78 : i32 to index
        %swap3A_95 = arith.constant 32 : index
        %swap3A_96 = tpu.vector_load %arg9[%swap3A_94, %swap3A_95] {strides = array<i32>} : memref<200x64xf32, #tpu.memory_space<vmem>>, vector<16xf32>,
        tpu.vector_store %arg9[%swap3A_94, %swap3A_95], %get3A_93 {strides = array<i32>} : memref<200x64xf32, #tpu.memory_space<vmem>>, vector<16xf32>,
        %get3A_97 = arith.index_cast %add3A_78 : i32 to index
        %get3A_98 = arith.constant 48 : index
        %get3A_99 = tpu.vector_load %arg7[%get3A_97, %get3A_98] {strides = array<i32>} : memref<200x128xf32, #tpu.memory_space<vmem>>, vector<16xf32>,
        %swap3A_100 = arith.index_cast %add3A_78 : i32 to index
        %swap3A_101 = arith.constant 48 : index
        %swap3A_102 = tpu.vector_load %arg9[%swap3A_100, %swap3A_101] {strides = array<i32>} : memref<200x64xf32, #tpu.memory_space<vmem>>, vector<16xf32>,
        tpu.vector_store %arg9[%swap3A_100, %swap3A_101], %get3A_99 {strides = array<i32>} : memref<200x64xf32, #tpu.memory_space<vmem>>, vector<16xf32>,
        %mul3A_103 = arith.constant 8 : i32
        %mul3A_104 = arith.muli %scan3A_48, %mul3A_103 : i32
        %add3A_105 = arith.constant 2 : i32
        %add3A_106 = arith.addi %mul3A_104, %add3A_105 : i32
        %get3A_107 = arith.index_cast %add3A_106 : i32 to index
        %get3A_108 = arith.constant 0 : index
        %get3A_109 = tpu.vector_load %arg7[%get3A_107, %get3A_108] {strides = array<i32>} : memref<200x128xf32, #tpu.memory_space<vmem>>, vector<16xf32>,
        %swap3A_110 = arith.index_cast %add3A_106 : i32 to index
        %swap3A_111 = arith.constant 0 : index
        %swap3A_112 = tpu.vector_load %arg9[%swap3A_110, %swap3A_111] {strides = array<i32>} : memref<200x64xf32, #tpu.memory_space<vmem>>, vector<16xf32>,
        tpu.vector_store %arg9[%swap3A_110, %swap3A_111], %get3A_109 {strides = array<i32>} : memref<200x64xf32, #tpu.memory_space<vmem>>, vector<16xf32>,
        %get3A_113 = arith.index_cast %add3A_106 : i32 to index
        %get3A_114 = arith.constant 16 : index
        %get3A_115 = tpu.vector_load %arg7[%get3A_113, %get3A_114] {strides = array<i32>} : memref<200x128xf32, #tpu.memory_space<vmem>>, vector<16xf32>,
        %swap3A_116 = arith.index_cast %add3A_106 : i32 to index
        %swap3A_117 = arith.constant 16 : index
        %swap3A_118 = tpu.vector_load %arg9[%swap3A_116, %swap3A_117] {strides = array<i32>} : memref<200x64xf32, #tpu.memory_space<vmem>>, vector<16xf32>,
        tpu.vector_store %arg9[%swap3A_116, %swap3A_117], %get3A_115 {strides = array<i32>} : memref<200x64xf32, #tpu.memory_space<vmem>>, vector<16xf32>,
        %get3A_119 = arith.index_cast %add3A_106 : i32 to index
        %get3A_120 = arith.constant 32 : index
        %get3A_121 = tpu.vector_load %arg7[%get3A_119, %get3A_120] {strides = array<i32>} : memref<200x128xf32, #tpu.memory_space<vmem>>, vector<16xf32>,
        %swap3A_122 = arith.index_cast %add3A_106 : i32 to index
        %swap3A_123 = arith.constant 32 : index
        %swap3A_124 = tpu.vector_load %arg9[%swap3A_122, %swap3A_123] {strides = array<i32>} : memref<200x64xf32, #tpu.memory_space<vmem>>, vector<16xf32>,
        tpu.vector_store %arg9[%swap3A_122, %swap3A_123], %get3A_121 {strides = array<i32>} : memref<200x64xf32, #tpu.memory_space<vmem>>, vector<16xf32>,
        %get3A_125 = arith.index_cast %add3A_106 : i32 to index
        %get3A_126 = arith.constant 48 : index
        %get3A_127 = tpu.vector_load %arg7[%get3A_125, %get3A_126] {strides = array<i32>} : memref<200x128xf32, #tpu.memory_space<vmem>>, vector<16xf32>,
        %swap3A_128 = arith.index_cast %add3A_106 : i32 to index
        %swap3A_129 = arith.constant 48 : index
        %swap3A_130 = tpu.vector_load %arg9[%swap3A_128, %swap3A_129] {strides = array<i32>} : memref<200x64xf32, #tpu.memory_space<vmem>>, vector<16xf32>,
        tpu.vector_store %arg9[%swap3A_128, %swap3A_129], %get3A_127 {strides = array<i32>} : memref<200x64xf32, #tpu.memory_space<vmem>>, vector<16xf32>,
        %mul3A_131 = arith.constant 8 : i32
        %mul3A_132 = arith.muli %scan3A_48, %mul3A_131 : i32
        %add3A_133 = arith.constant 3 : i32
        %add3A_134 = arith.addi %mul3A_132, %add3A_133 : i32
        %get3A_135 = arith.index_cast %add3A_134 : i32 to index
        %get3A_136 = arith.constant 0 : index
        %get3A_137 = tpu.vector_load %arg7[%get3A_135, %get3A_136] {strides = array<i32>} : memref<200x128xf32, #tpu.memory_space<vmem>>, vector<16xf32>,
        %swap3A_138 = arith.index_cast %add3A_134 : i32 to index
        %swap3A_139 = arith.constant 0 : index
        %swap3A_140 = tpu.vector_load %arg9[%swap3A_138, %swap3A_139] {strides = array<i32>} : memref<200x64xf32, #tpu.memory_space<vmem>>, vector<16xf32>,
        tpu.vector_store %arg9[%swap3A_138, %swap3A_139], %get3A_137 {strides = array<i32>} : memref<200x64xf32, #tpu.memory_space<vmem>>, vector<16xf32>,
        %get3A_141 = arith.index_cast %add3A_134 : i32 to index
        %get3A_142 = arith.constant 16 : index
        %get3A_143 = tpu.vector_load %arg7[%get3A_141, %get3A_142] {strides = array<i32>} : memref<200x128xf32, #tpu.memory_space<vmem>>, vector<16xf32>,
        %swap3A_144 = arith.index_cast %add3A_134 : i32 to index
        %swap3A_145 = arith.constant 16 : index
        %swap3A_146 = tpu.vector_load %arg9[%swap3A_144, %swap3A_145] {strides = array<i32>} : memref<200x64xf32, #tpu.memory_space<vmem>>, vector<16xf32>,
        tpu.vector_store %arg9[%swap3A_144, %swap3A_145], %get3A_143 {strides = array<i32>} : memref<200x64xf32, #tpu.memory_space<vmem>>, vector<16xf32>,
        %get3A_147 = arith.index_cast %add3A_134 : i32 to index
        %get3A_148 = arith.constant 32 : index
        %get3A_149 = tpu.vector_load %arg7[%get3A_147, %get3A_148] {strides = array<i32>} : memref<200x128xf32, #tpu.memory_space<vmem>>, vector<16xf32>,
        %swap3A_150 = arith.index_cast %add3A_134 : i32 to index
        %swap3A_151 = arith.constant 32 : index
        %swap3A_152 = tpu.vector_load %arg9[%swap3A_150, %swap3A_151] {strides = array<i32>} : memref<200x64xf32, #tpu.memory_space<vmem>>, vector<16xf32>,
        tpu.vector_store %arg9[%swap3A_150, %swap3A_151], %get3A_149 {strides = array<i32>} : memref<200x64xf32, #tpu.memory_space<vmem>>, vector<16xf32>,
        %get3A_153 = arith.index_cast %add3A_134 : i32 to index
        %get3A_154 = arith.constant 48 : index
        %get3A_155 = tpu.vector_load %arg7[%get3A_153, %get3A_154] {strides = array<i32>} : memref<200x128xf32, #tpu.memory_space<vmem>>, vector<16xf32>,
        %swap3A_156 = arith.index_cast %add3A_134 : i32 to index
        %swap3A_157 = arith.constant 48 : index
        %swap3A_158 = tpu.vector_load %arg9[%swap3A_156, %swap3A_157] {strides = array<i32>} : memref<200x64xf32, #tpu.memory_space<vmem>>, vector<16xf32>,
        tpu.vector_store %arg9[%swap3A_156, %swap3A_157], %get3A_155 {strides = array<i32>} : memref<200x64xf32, #tpu.memory_space<vmem>>, vector<16xf32>,
        %mul3A_159 = arith.constant 8 : i32
        %mul3A_160 = arith.muli %scan3A_48, %mul3A_159 : i32
        %add3A_161 = arith.constant 4 : i32
        %add3A_162 = arith.addi %mul3A_160, %add3A_161 : i32
        %get3A_163 = arith.index_cast %add3A_162 : i32 to index
        %get3A_164 = arith.constant 0 : index
        %get3A_165 = tpu.vector_load %arg7[%get3A_163, %get3A_164] {strides = array<i32>} : memref<200x128xf32, #tpu.memory_space<vmem>>, vector<16xf32>,
        %swap3A_166 = arith.index_cast %add3A_162 : i32 to index
        %swap3A_167 = arith.constant 0 : index
        %swap3A_168 = tpu.vector_load %arg9[%swap3A_166, %swap3A_167] {strides = array<i32>} : memref<200x64xf32, #tpu.memory_space<vmem>>, vector<16xf32>,
        tpu.vector_store %arg9[%swap3A_166, %swap3A_167], %get3A_165 {strides = array<i32>} : memref<200x64xf32, #tpu.memory_space<vmem>>, vector<16xf32>,
        %get3A_169 = arith.index_cast %add3A_162 : i32 to index
        %get3A_170 = arith.constant 16 : index
        %get3A_171 = tpu.vector_load %arg7[%get3A_169, %get3A_170] {strides = array<i32>} : memref<200x128xf32, #tpu.memory_space<vmem>>, vector<16xf32>,
        %swap3A_172 = arith.index_cast %add3A_162 : i32 to index
        %swap3A_173 = arith.constant 16 : index
        %swap3A_174 = tpu.vector_load %arg9[%swap3A_172, %swap3A_173] {strides = array<i32>} : memref<200x64xf32, #tpu.memory_space<vmem>>, vector<16xf32>,
        tpu.vector_store %arg9[%swap3A_172, %swap3A_173], %get3A_171 {strides = array<i32>} : memref<200x64xf32, #tpu.memory_space<vmem>>, vector<16xf32>,
        %get3A_175 = arith.index_cast %add3A_162 : i32 to index
        %get3A_176 = arith.constant 32 : index
        %get3A_177 = tpu.vector_load %arg7[%get3A_175, %get3A_176] {strides = array<i32>} : memref<200x128xf32, #tpu.memory_space<vmem>>, vector<16xf32>,
        %swap3A_178 = arith.index_cast %add3A_162 : i32 to index
        %swap3A_179 = arith.constant 32 : index
        %swap3A_180 = tpu.vector_load %arg9[%swap3A_178, %swap3A_179] {strides = array<i32>} : memref<200x64xf32, #tpu.memory_space<vmem>>, vector<16xf32>,
        tpu.vector_store %arg9[%swap3A_178, %swap3A_179], %get3A_177 {strides = array<i32>} : memref<200x64xf32, #tpu.memory_space<vmem>>, vector<16xf32>,
        %get3A_181 = arith.index_cast %add3A_162 : i32 to index
        %get3A_182 = arith.constant 48 : index
        %get3A_183 = tpu.vector_load %arg7[%get3A_181, %get3A_182] {strides = array<i32>} : memref<200x128xf32, #tpu.memory_space<vmem>>, vector<16xf32>,
        %swap3A_184 = arith.index_cast %add3A_162 : i32 to index
        %swap3A_185 = arith.constant 48 : index
        %swap3A_186 = tpu.vector_load %arg9[%swap3A_184, %swap3A_185] {strides = array<i32>} : memref<200x64xf32, #tpu.memory_space<vmem>>, vector<16xf32>,
        tpu.vector_store %arg9[%swap3A_184, %swap3A_185], %get3A_183 {strides = array<i32>} : memref<200x64xf32, #tpu.memory_space<vmem>>, vector<16xf32>,
        %mul3A_187 = arith.constant 8 : i32
        %mul3A_188 = arith.muli %scan3A_48, %mul3A_187 : i32
        %add3A_189 = arith.constant 5 : i32
        %add3A_190 = arith.addi %mul3A_188, %add3A_189 : i32
        %get3A_191 = arith.index_cast %add3A_190 : i32 to index
        %get3A_192 = arith.constant 0 : index
        %get3A_193 = tpu.vector_load %arg7[%get3A_191, %get3A_192] {strides = array<i32>} : memref<200x128xf32, #tpu.memory_space<vmem>>, vector<16xf32>,
        %swap3A_194 = arith.index_cast %add3A_190 : i32 to index
        %swap3A_195 = arith.constant 0 : index
        %swap3A_196 = tpu.vector_load %arg9[%swap3A_194, %swap3A_195] {strides = array<i32>} : memref<200x64xf32, #tpu.memory_space<vmem>>, vector<16xf32>,
        tpu.vector_store %arg9[%swap3A_194, %swap3A_195], %get3A_193 {strides = array<i32>} : memref<200x64xf32, #tpu.memory_space<vmem>>, vector<16xf32>,
        %get3A_197 = arith.index_cast %add3A_190 : i32 to index
        %get3A_198 = arith.constant 16 : index
        %get3A_199 = tpu.vector_load %arg7[%get3A_197, %get3A_198] {strides = array<i32>} : memref<200x128xf32, #tpu.memory_space<vmem>>, vector<16xf32>,
        %swap3A_200 = arith.index_cast %add3A_190 : i32 to index
        %swap3A_201 = arith.constant 16 : index
        %swap3A_202 = tpu.vector_load %arg9[%swap3A_200, %swap3A_201] {strides = array<i32>} : memref<200x64xf32, #tpu.memory_space<vmem>>, vector<16xf32>,
        tpu.vector_store %arg9[%swap3A_200, %swap3A_201], %get3A_199 {strides = array<i32>} : memref<200x64xf32, #tpu.memory_space<vmem>>, vector<16xf32>,
        %get3A_203 = arith.index_cast %add3A_190 : i32 to index
        %get3A_204 = arith.constant 32 : index
        %get3A_205 = tpu.vector_load %arg7[%get3A_203, %get3A_204] {strides = array<i32>} : memref<200x128xf32, #tpu.memory_space<vmem>>, vector<16xf32>,
        %swap3A_206 = arith.index_cast %add3A_190 : i32 to index
        %swap3A_207 = arith.constant 32 : index
        %swap3A_208 = tpu.vector_load %arg9[%swap3A_206, %swap3A_207] {strides = array<i32>} : memref<200x64xf32, #tpu.memory_space<vmem>>, vector<16xf32>,
        tpu.vector_store %arg9[%swap3A_206, %swap3A_207], %get3A_205 {strides = array<i32>} : memref<200x64xf32, #tpu.memory_space<vmem>>, vector<16xf32>,
        %get3A_209 = arith.index_cast %add3A_190 : i32 to index
        %get3A_210 = arith.constant 48 : index
        %get3A_211 = tpu.vector_load %arg7[%get3A_209, %get3A_210] {strides = array<i32>} : memref<200x128xf32, #tpu.memory_space<vmem>>, vector<16xf32>,
        %swap3A_212 = arith.index_cast %add3A_190 : i32 to index
        %swap3A_213 = arith.constant 48 : index
        %swap3A_214 = tpu.vector_load %arg9[%swap3A_212, %swap3A_213] {strides = array<i32>} : memref<200x64xf32, #tpu.memory_space<vmem>>, vector<16xf32>,
        tpu.vector_store %arg9[%swap3A_212, %swap3A_213], %get3A_211 {strides = array<i32>} : memref<200x64xf32, #tpu.memory_space<vmem>>, vector<16xf32>,
        %mul3A_215 = arith.constant 8 : i32
        %mul3A_216 = arith.muli %scan3A_48, %mul3A_215 : i32
        %add3A_217 = arith.constant 6 : i32
        %add3A_218 = arith.addi %mul3A_216, %add3A_217 : i32
        %get3A_219 = arith.index_cast %add3A_218 : i32 to index
        %get3A_220 = arith.constant 0 : index
        %get3A_221 = tpu.vector_load %arg7[%get3A_219, %get3A_220] {strides = array<i32>} : memref<200x128xf32, #tpu.memory_space<vmem>>, vector<16xf32>,
        %swap3A_222 = arith.index_cast %add3A_218 : i32 to index
        %swap3A_223 = arith.constant 0 : index
        %swap3A_224 = tpu.vector_load %arg9[%swap3A_222, %swap3A_223] {strides = array<i32>} : memref<200x64xf32, #tpu.memory_space<vmem>>, vector<16xf32>,
        tpu.vector_store %arg9[%swap3A_222, %swap3A_223], %get3A_221 {strides = array<i32>} : memref<200x64xf32, #tpu.memory_space<vmem>>, vector<16xf32>,
        %get3A_225 = arith.index_cast %add3A_218 : i32 to index
        %get3A_226 = arith.constant 16 : index
        %get3A_227 = tpu.vector_load %arg7[%get3A_225, %get3A_226] {strides = array<i32>} : memref<200x128xf32, #tpu.memory_space<vmem>>, vector<16xf32>,
        %swap3A_228 = arith.index_cast %add3A_218 : i32 to index
        %swap3A_229 = arith.constant 16 : index
        %swap3A_230 = tpu.vector_load %arg9[%swap3A_228, %swap3A_229] {strides = array<i32>} : memref<200x64xf32, #tpu.memory_space<vmem>>, vector<16xf32>,
        tpu.vector_store %arg9[%swap3A_228, %swap3A_229], %get3A_227 {strides = array<i32>} : memref<200x64xf32, #tpu.memory_space<vmem>>, vector<16xf32>,
        %get3A_231 = arith.index_cast %add3A_218 : i32 to index
        %get3A_232 = arith.constant 32 : index
        %get3A_233 = tpu.vector_load %arg7[%get3A_231, %get3A_232] {strides = array<i32>} : memref<200x128xf32, #tpu.memory_space<vmem>>, vector<16xf32>,
        %swap3A_234 = arith.index_cast %add3A_218 : i32 to index
        %swap3A_235 = arith.constant 32 : index
        %swap3A_236 = tpu.vector_load %arg9[%swap3A_234, %swap3A_235] {strides = array<i32>} : memref<200x64xf32, #tpu.memory_space<vmem>>, vector<16xf32>,
        tpu.vector_store %arg9[%swap3A_234, %swap3A_235], %get3A_233 {strides = array<i32>} : memref<200x64xf32, #tpu.memory_space<vmem>>, vector<16xf32>,
        %get3A_237 = arith.index_cast %add3A_218 : i32 to index
        %get3A_238 = arith.constant 48 : index
        %get3A_239 = tpu.vector_load %arg7[%get3A_237, %get3A_238] {strides = array<i32>} : memref<200x128xf32, #tpu.memory_space<vmem>>, vector<16xf32>,
        %swap3A_240 = arith.index_cast %add3A_218 : i32 to index
        %swap3A_241 = arith.constant 48 : index
        %swap3A_242 = tpu.vector_load %arg9[%swap3A_240, %swap3A_241] {strides = array<i32>} : memref<200x64xf32, #tpu.memory_space<vmem>>, vector<16xf32>,
        tpu.vector_store %arg9[%swap3A_240, %swap3A_241], %get3A_239 {strides = array<i32>} : memref<200x64xf32, #tpu.memory_space<vmem>>, vector<16xf32>,
        %mul3A_243 = arith.constant 8 : i32
        %mul3A_244 = arith.muli %scan3A_48, %mul3A_243 : i32
        %add3A_245 = arith.constant 7 : i32
        %add3A_246 = arith.addi %mul3A_244, %add3A_245 : i32
        %get3A_247 = arith.index_cast %add3A_246 : i32 to index
        %get3A_248 = arith.constant 0 : index
        %get3A_249 = tpu.vector_load %arg7[%get3A_247, %get3A_248] {strides = array<i32>} : memref<200x128xf32, #tpu.memory_space<vmem>>, vector<16xf32>,
        %swap3A_250 = arith.index_cast %add3A_246 : i32 to index
        %swap3A_251 = arith.constant 0 : index
        %swap3A_252 = tpu.vector_load %arg9[%swap3A_250, %swap3A_251] {strides = array<i32>} : memref<200x64xf32, #tpu.memory_space<vmem>>, vector<16xf32>,
        tpu.vector_store %arg9[%swap3A_250, %swap3A_251], %get3A_249 {strides = array<i32>} : memref<200x64xf32, #tpu.memory_space<vmem>>, vector<16xf32>,
        %get3A_253 = arith.index_cast %add3A_246 : i32 to index
        %get3A_254 = arith.constant 16 : index
        %get3A_255 = tpu.vector_load %arg7[%get3A_253, %get3A_254] {strides = array<i32>} : memref<200x128xf32, #tpu.memory_space<vmem>>, vector<16xf32>,
        %swap3A_256 = arith.index_cast %add3A_246 : i32 to index
        %swap3A_257 = arith.constant 16 : index
        %swap3A_258 = tpu.vector_load %arg9[%swap3A_256, %swap3A_257] {strides = array<i32>} : memref<200x64xf32, #tpu.memory_space<vmem>>, vector<16xf32>,
        tpu.vector_store %arg9[%swap3A_256, %swap3A_257], %get3A_255 {strides = array<i32>} : memref<200x64xf32, #tpu.memory_space<vmem>>, vector<16xf32>,
        %get3A_259 = arith.index_cast %add3A_246 : i32 to index
        %get3A_260 = arith.constant 32 : index
        %get3A_261 = tpu.vector_load %arg7[%get3A_259, %get3A_260] {strides = array<i32>} : memref<200x128xf32, #tpu.memory_space<vmem>>, vector<16xf32>,
        %swap3A_262 = arith.index_cast %add3A_246 : i32 to index
        %swap3A_263 = arith.constant 32 : index
        %swap3A_264 = tpu.vector_load %arg9[%swap3A_262, %swap3A_263] {strides = array<i32>} : memref<200x64xf32, #tpu.memory_space<vmem>>, vector<16xf32>,
        tpu.vector_store %arg9[%swap3A_262, %swap3A_263], %get3A_261 {strides = array<i32>} : memref<200x64xf32, #tpu.memory_space<vmem>>, vector<16xf32>,
        %get3A_265 = arith.index_cast %add3A_246 : i32 to index
        %get3A_266 = arith.constant 48 : index
        %get3A_267 = tpu.vector_load %arg7[%get3A_265, %get3A_266] {strides = array<i32>} : memref<200x128xf32, #tpu.memory_space<vmem>>, vector<16xf32>,
        %swap3A_268 = arith.index_cast %add3A_246 : i32 to index
        %swap3A_269 = arith.constant 48 : index
        %swap3A_270 = tpu.vector_load %arg9[%swap3A_268, %swap3A_269] {strides = array<i32>} : memref<200x64xf32, #tpu.memory_space<vmem>>, vector<16xf32>,
        tpu.vector_store %arg9[%swap3A_268, %swap3A_269], %get3A_267 {strides = array<i32>} : memref<200x64xf32, #tpu.memory_space<vmem>>, vector<16xf32>,
      }
      %scan3A_32 = arith.constant 25 : i32
      %add3A_33 = arith.addi %mul3A_2, %mul3A_16 : i32
      "tpu.region"() ({
        %run_scoped3A = tpu.sem_alloc : memref<!tpu.dma_semaphore, #tpu.memory_space<semaphore_mem>>
        %dma_start3A_48 = arith.constant 0 : i32
        %dma_start3A_49 = arith.constant 0 : i32
        %dma_start3A_50 = tpu.memref_slice %arg4[%add3A_33, %dma_start3A_48, %dma_start3A_49] : memref<4096x200x64xf32, #tpu.memory_space<hbm>> -> memref<1x200x64xf32, #tpu.memory_space<hbm>>
        %dma_start3A_51 = tpu.memref_squeeze %dma_start3A_50 : memref<1x200x64xf32, #tpu.memory_space<hbm>> -> memref<200x64xf32, #tpu.memory_space<hbm>>
        %dma_start3A_52 = arith.constant 0 : i32
        %dma_start3A_53 = arith.constant 0 : i32
        %dma_start3A_54 = tpu.memref_slice %arg4[%add3A_33, %dma_start3A_52, %dma_start3A_53] : memref<4096x200x64xf32, #tpu.memory_space<hbm>> -> memref<1x200x64xf32, #tpu.memory_space<hbm>>
        %dma_start3A_55 = tpu.memref_squeeze %dma_start3A_54 : memref<1x200x64xf32, #tpu.memory_space<hbm>> -> memref<200x64xf32, #tpu.memory_space<hbm>>
        tpu.enqueue_dma source(%arg9 : memref<200x64xf32, #tpu.memory_space<vmem>>) target(%dma_start3A_55 : memref<200x64xf32, #tpu.memory_space<hbm>>) target_semaphore(%run_scoped3A : memref<!tpu.dma_semaphore, #tpu.memory_space<semaphore_mem>>)
        %dma_wait3A_56 = arith.constant 0 : i32
        %dma_wait3A_57 = arith.constant 0 : i32
        %dma_wait3A_58 = tpu.memref_slice %arg4[%add3A_33, %dma_wait3A_56, %dma_wait3A_57] : memref<4096x200x64xf32, #tpu.memory_space<hbm>> -> memref<1x200x64xf32, #tpu.memory_space<hbm>>
        %dma_wait3A_59 = tpu.memref_squeeze %dma_wait3A_58 : memref<1x200x64xf32, #tpu.memory_space<hbm>> -> memref<200x64xf32, #tpu.memory_space<hbm>>
        %dma_wait3A_60 = arith.constant 0 : i32
        %dma_wait3A_61 = arith.constant 0 : i32
        %dma_wait3A_62 = tpu.memref_slice %arg4[%add3A_33, %dma_wait3A_60, %dma_wait3A_61] : memref<4096x200x64xf32, #tpu.memory_space<hbm>> -> memref<1x200x64xf32, #tpu.memory_space<hbm>>
        %dma_wait3A_63 = tpu.memref_squeeze %dma_wait3A_62 : memref<1x200x64xf32, #tpu.memory_space<hbm>> -> memref<200x64xf32, #tpu.memory_space<hbm>>
        tpu.wait_dma2 semaphore(%run_scoped3A : memref<!tpu.dma_semaphore, #tpu.memory_space<semaphore_mem>>) src(%arg9 : memref<200x64xf32, #tpu.memory_space<vmem>>) dst(%dma_wait3A_63 : memref<200x64xf32, #tpu.memory_space<hbm>>)
        tpu.yield
      }) : () -> ()
      %lt3A = arith.constant 63 : i32
      %lt3A_34 = arith.cmpi slt, %scan3A_14, %lt3A : i32
      %convert_element_type3A = arith.extui %lt3A_34 : i1 to i32
      %cond3A = arith.constant 0 : i32
      %cond3A_35 = arith.cmpi ne, %convert_element_type3A, %cond3A : i32
      scf.if %cond3A_35 {
        %add3A_48 = arith.constant 2 : i32
        %add3A_49 = arith.addi %mul3A_16, %add3A_48 : i32
        %add3A_50 = arith.addi %mul3A_2, %add3A_49 : i32
        %mul3A_51 = arith.constant 200 : i32
        %mul3A_52 = arith.muli %add3A_50, %mul3A_51 : i32
        "tpu.region"() ({
          %run_scoped3A = tpu.sem_alloc : memref<!tpu.dma_semaphore, #tpu.memory_space<semaphore_mem>>
          %dma_start3A_56 = tpu.memref_slice %arg3[%mul3A_52] : memref<819200xi32, #tpu.memory_space<hbm>> -> memref<200xi32, #tpu.memory_space<hbm>>
          %dma_start3A_57 = tpu.memref_slice %arg3[%mul3A_52] : memref<819200xi32, #tpu.memory_space<hbm>> -> memref<200xi32, #tpu.memory_space<hbm>>
          tpu.enqueue_dma source(%dma_start3A_57 : memref<200xi32, #tpu.memory_space<hbm>>) target(%arg5 : memref<200xi32, #tpu.memory_space<vmem>>) target_semaphore(%run_scoped3A : memref<!tpu.dma_semaphore, #tpu.memory_space<semaphore_mem>>)
          %dma_wait3A_58 = tpu.memref_slice %arg3[%mul3A_52] : memref<819200xi32, #tpu.memory_space<hbm>> -> memref<200xi32, #tpu.memory_space<hbm>>
          %dma_wait3A_59 = tpu.memref_slice %arg3[%mul3A_52] : memref<819200xi32, #tpu.memory_space<hbm>> -> memref<200xi32, #tpu.memory_space<hbm>>
          tpu.wait_dma2 semaphore(%run_scoped3A : memref<!tpu.dma_semaphore, #tpu.memory_space<semaphore_mem>>) src(%dma_wait3A_59 : memref<200xi32, #tpu.memory_space<hbm>>) dst(%arg5 : memref<200xi32, #tpu.memory_space<vmem>>)
          tpu.yield
        }) : () -> ()
        %dma_start3A_53 = arith.constant 0 : i32
        %dma_start3A_54 = arith.constant 0 : i32
        %dma_start3A_55 = tpu.memref_slice %arg2[%dma_start3A_53, %dma_start3A_54] : memref<1000000x128xf32, #tpu.memory_space<hbm>> -> memref<1000000x128xf32, #tpu.memory_space<hbm>>
        tpu.enqueue_indirect_dma source(%dma_start3A_55 : memref<1000000x128xf32, #tpu.memory_space<hbm>>) target(%arg7 : memref<200x128xf32, #tpu.memory_space<vmem>>) offsets(%arg5 : memref<200xi32, #tpu.memory_space<vmem>>) semaphore(%arg10 : memref<!tpu.dma_semaphore, #tpu.memory_space<semaphore_mem>>)
      } else {
      }
      %add3A_36 = arith.constant 1 : i32
      %add3A_37 = arith.addi %mul3A_16, %add3A_36 : i32
      %dma_wait3A_38 = arith.constant 0 : i32
      %dma_wait3A_39 = arith.constant 0 : i32
      %dma_wait3A_40 = tpu.memref_slice %arg2[%dma_wait3A_38, %dma_wait3A_39] : memref<1000000x128xf32, #tpu.memory_space<hbm>> -> memref<1000000x128xf32, #tpu.memory_space<hbm>>
      tpu.wait_indirect_dma semaphore(%arg11 : memref<!tpu.dma_semaphore, #tpu.memory_space<semaphore_mem>>) src(%dma_wait3A_40 : memref<1000000x128xf32, #tpu.memory_space<hbm>>) dst(%arg8 : memref<200x128xf32, #tpu.memory_space<vmem>>)
      %scan3A_41 = arith.constant 0 : i32
      %scan3A_42 = arith.constant 0 : i32
      %scan3A_43 = arith.constant 25 : i32
      %scan3A_44 = arith.addi %scan3A_42, %scan3A_43 : i32
      %scan3A_45 = arith.constant 1 : i32
      scf.for %scan3A_48 = %scan3A_42 to %scan3A_44 step %scan3A_45  : i32 {
        %mul3A_49 = arith.constant 8 : i32
        %mul3A_50 = arith.muli %scan3A_48, %mul3A_49 : i32
        %add3A_51 = arith.constant 0 : i32
        %add3A_52 = arith.addi %mul3A_50, %add3A_51 : i32
        %get3A = arith.index_cast %add3A_52 : i32 to index
        %get3A_53 = arith.constant 0 : index
        %get3A_54 = tpu.vector_load %arg8[%get3A, %get3A_53] {strides = array<i32>} : memref<200x128xf32, #tpu.memory_space<vmem>>, vector<16xf32>,
        %swap3A = arith.index_cast %add3A_52 : i32 to index
        %swap3A_55 = arith.constant 0 : index
        %swap3A_56 = tpu.vector_load %arg9[%swap3A, %swap3A_55] {strides = array<i32>} : memref<200x64xf32, #tpu.memory_space<vmem>>, vector<16xf32>,
        tpu.vector_store %arg9[%swap3A, %swap3A_55], %get3A_54 {strides = array<i32>} : memref<200x64xf32, #tpu.memory_space<vmem>>, vector<16xf32>,
        %get3A_57 = arith.index_cast %add3A_52 : i32 to index
        %get3A_58 = arith.constant 16 : index
        %get3A_59 = tpu.vector_load %arg8[%get3A_57, %get3A_58] {strides = array<i32>} : memref<200x128xf32, #tpu.memory_space<vmem>>, vector<16xf32>,
        %swap3A_60 = arith.index_cast %add3A_52 : i32 to index
        %swap3A_61 = arith.constant 16 : index
        %swap3A_62 = tpu.vector_load %arg9[%swap3A_60, %swap3A_61] {strides = array<i32>} : memref<200x64xf32, #tpu.memory_space<vmem>>, vector<16xf32>,
        tpu.vector_store %arg9[%swap3A_60, %swap3A_61], %get3A_59 {strides = array<i32>} : memref<200x64xf32, #tpu.memory_space<vmem>>, vector<16xf32>,
        %get3A_63 = arith.index_cast %add3A_52 : i32 to index
        %get3A_64 = arith.constant 32 : index
        %get3A_65 = tpu.vector_load %arg8[%get3A_63, %get3A_64] {strides = array<i32>} : memref<200x128xf32, #tpu.memory_space<vmem>>, vector<16xf32>,
        %swap3A_66 = arith.index_cast %add3A_52 : i32 to index
        %swap3A_67 = arith.constant 32 : index
        %swap3A_68 = tpu.vector_load %arg9[%swap3A_66, %swap3A_67] {strides = array<i32>} : memref<200x64xf32, #tpu.memory_space<vmem>>, vector<16xf32>,
        tpu.vector_store %arg9[%swap3A_66, %swap3A_67], %get3A_65 {strides = array<i32>} : memref<200x64xf32, #tpu.memory_space<vmem>>, vector<16xf32>,
        %get3A_69 = arith.index_cast %add3A_52 : i32 to index
        %get3A_70 = arith.constant 48 : index
        %get3A_71 = tpu.vector_load %arg8[%get3A_69, %get3A_70] {strides = array<i32>} : memref<200x128xf32, #tpu.memory_space<vmem>>, vector<16xf32>,
        %swap3A_72 = arith.index_cast %add3A_52 : i32 to index
        %swap3A_73 = arith.constant 48 : index
        %swap3A_74 = tpu.vector_load %arg9[%swap3A_72, %swap3A_73] {strides = array<i32>} : memref<200x64xf32, #tpu.memory_space<vmem>>, vector<16xf32>,
        tpu.vector_store %arg9[%swap3A_72, %swap3A_73], %get3A_71 {strides = array<i32>} : memref<200x64xf32, #tpu.memory_space<vmem>>, vector<16xf32>,
        %mul3A_75 = arith.constant 8 : i32
        %mul3A_76 = arith.muli %scan3A_48, %mul3A_75 : i32
        %add3A_77 = arith.constant 1 : i32
        %add3A_78 = arith.addi %mul3A_76, %add3A_77 : i32
        %get3A_79 = arith.index_cast %add3A_78 : i32 to index
        %get3A_80 = arith.constant 0 : index
        %get3A_81 = tpu.vector_load %arg8[%get3A_79, %get3A_80] {strides = array<i32>} : memref<200x128xf32, #tpu.memory_space<vmem>>, vector<16xf32>,
        %swap3A_82 = arith.index_cast %add3A_78 : i32 to index
        %swap3A_83 = arith.constant 0 : index
        %swap3A_84 = tpu.vector_load %arg9[%swap3A_82, %swap3A_83] {strides = array<i32>} : memref<200x64xf32, #tpu.memory_space<vmem>>, vector<16xf32>,
        tpu.vector_store %arg9[%swap3A_82, %swap3A_83], %get3A_81 {strides = array<i32>} : memref<200x64xf32, #tpu.memory_space<vmem>>, vector<16xf32>,
        %get3A_85 = arith.index_cast %add3A_78 : i32 to index
        %get3A_86 = arith.constant 16 : index
        %get3A_87 = tpu.vector_load %arg8[%get3A_85, %get3A_86] {strides = array<i32>} : memref<200x128xf32, #tpu.memory_space<vmem>>, vector<16xf32>,
        %swap3A_88 = arith.index_cast %add3A_78 : i32 to index
        %swap3A_89 = arith.constant 16 : index
        %swap3A_90 = tpu.vector_load %arg9[%swap3A_88, %swap3A_89] {strides = array<i32>} : memref<200x64xf32, #tpu.memory_space<vmem>>, vector<16xf32>,
        tpu.vector_store %arg9[%swap3A_88, %swap3A_89], %get3A_87 {strides = array<i32>} : memref<200x64xf32, #tpu.memory_space<vmem>>, vector<16xf32>,
        %get3A_91 = arith.index_cast %add3A_78 : i32 to index
        %get3A_92 = arith.constant 32 : index
        %get3A_93 = tpu.vector_load %arg8[%get3A_91, %get3A_92] {strides = array<i32>} : memref<200x128xf32, #tpu.memory_space<vmem>>, vector<16xf32>,
        %swap3A_94 = arith.index_cast %add3A_78 : i32 to index
        %swap3A_95 = arith.constant 32 : index
        %swap3A_96 = tpu.vector_load %arg9[%swap3A_94, %swap3A_95] {strides = array<i32>} : memref<200x64xf32, #tpu.memory_space<vmem>>, vector<16xf32>,
        tpu.vector_store %arg9[%swap3A_94, %swap3A_95], %get3A_93 {strides = array<i32>} : memref<200x64xf32, #tpu.memory_space<vmem>>, vector<16xf32>,
        %get3A_97 = arith.index_cast %add3A_78 : i32 to index
        %get3A_98 = arith.constant 48 : index
        %get3A_99 = tpu.vector_load %arg8[%get3A_97, %get3A_98] {strides = array<i32>} : memref<200x128xf32, #tpu.memory_space<vmem>>, vector<16xf32>,
        %swap3A_100 = arith.index_cast %add3A_78 : i32 to index
        %swap3A_101 = arith.constant 48 : index
        %swap3A_102 = tpu.vector_load %arg9[%swap3A_100, %swap3A_101] {strides = array<i32>} : memref<200x64xf32, #tpu.memory_space<vmem>>, vector<16xf32>,
        tpu.vector_store %arg9[%swap3A_100, %swap3A_101], %get3A_99 {strides = array<i32>} : memref<200x64xf32, #tpu.memory_space<vmem>>, vector<16xf32>,
        %mul3A_103 = arith.constant 8 : i32
        %mul3A_104 = arith.muli %scan3A_48, %mul3A_103 : i32
        %add3A_105 = arith.constant 2 : i32
        %add3A_106 = arith.addi %mul3A_104, %add3A_105 : i32
        %get3A_107 = arith.index_cast %add3A_106 : i32 to index
        %get3A_108 = arith.constant 0 : index
        %get3A_109 = tpu.vector_load %arg8[%get3A_107, %get3A_108] {strides = array<i32>} : memref<200x128xf32, #tpu.memory_space<vmem>>, vector<16xf32>,
        %swap3A_110 = arith.index_cast %add3A_106 : i32 to index
        %swap3A_111 = arith.constant 0 : index
        %swap3A_112 = tpu.vector_load %arg9[%swap3A_110, %swap3A_111] {strides = array<i32>} : memref<200x64xf32, #tpu.memory_space<vmem>>, vector<16xf32>,
        tpu.vector_store %arg9[%swap3A_110, %swap3A_111], %get3A_109 {strides = array<i32>} : memref<200x64xf32, #tpu.memory_space<vmem>>, vector<16xf32>,
        %get3A_113 = arith.index_cast %add3A_106 : i32 to index
        %get3A_114 = arith.constant 16 : index
        %get3A_115 = tpu.vector_load %arg8[%get3A_113, %get3A_114] {strides = array<i32>} : memref<200x128xf32, #tpu.memory_space<vmem>>, vector<16xf32>,
        %swap3A_116 = arith.index_cast %add3A_106 : i32 to index
        %swap3A_117 = arith.constant 16 : index
        %swap3A_118 = tpu.vector_load %arg9[%swap3A_116, %swap3A_117] {strides = array<i32>} : memref<200x64xf32, #tpu.memory_space<vmem>>, vector<16xf32>,
        tpu.vector_store %arg9[%swap3A_116, %swap3A_117], %get3A_115 {strides = array<i32>} : memref<200x64xf32, #tpu.memory_space<vmem>>, vector<16xf32>,
        %get3A_119 = arith.index_cast %add3A_106 : i32 to index
        %get3A_120 = arith.constant 32 : index
        %get3A_121 = tpu.vector_load %arg8[%get3A_119, %get3A_120] {strides = array<i32>} : memref<200x128xf32, #tpu.memory_space<vmem>>, vector<16xf32>,
        %swap3A_122 = arith.index_cast %add3A_106 : i32 to index
        %swap3A_123 = arith.constant 32 : index
        %swap3A_124 = tpu.vector_load %arg9[%swap3A_122, %swap3A_123] {strides = array<i32>} : memref<200x64xf32, #tpu.memory_space<vmem>>, vector<16xf32>,
        tpu.vector_store %arg9[%swap3A_122, %swap3A_123], %get3A_121 {strides = array<i32>} : memref<200x64xf32, #tpu.memory_space<vmem>>, vector<16xf32>,
        %get3A_125 = arith.index_cast %add3A_106 : i32 to index
        %get3A_126 = arith.constant 48 : index
        %get3A_127 = tpu.vector_load %arg8[%get3A_125, %get3A_126] {strides = array<i32>} : memref<200x128xf32, #tpu.memory_space<vmem>>, vector<16xf32>,
        %swap3A_128 = arith.index_cast %add3A_106 : i32 to index
        %swap3A_129 = arith.constant 48 : index
        %swap3A_130 = tpu.vector_load %arg9[%swap3A_128, %swap3A_129] {strides = array<i32>} : memref<200x64xf32, #tpu.memory_space<vmem>>, vector<16xf32>,
        tpu.vector_store %arg9[%swap3A_128, %swap3A_129], %get3A_127 {strides = array<i32>} : memref<200x64xf32, #tpu.memory_space<vmem>>, vector<16xf32>,
        %mul3A_131 = arith.constant 8 : i32
        %mul3A_132 = arith.muli %scan3A_48, %mul3A_131 : i32
        %add3A_133 = arith.constant 3 : i32
        %add3A_134 = arith.addi %mul3A_132, %add3A_133 : i32
        %get3A_135 = arith.index_cast %add3A_134 : i32 to index
        %get3A_136 = arith.constant 0 : index
        %get3A_137 = tpu.vector_load %arg8[%get3A_135, %get3A_136] {strides = array<i32>} : memref<200x128xf32, #tpu.memory_space<vmem>>, vector<16xf32>,
        %swap3A_138 = arith.index_cast %add3A_134 : i32 to index
        %swap3A_139 = arith.constant 0 : index
        %swap3A_140 = tpu.vector_load %arg9[%swap3A_138, %swap3A_139] {strides = array<i32>} : memref<200x64xf32, #tpu.memory_space<vmem>>, vector<16xf32>,
        tpu.vector_store %arg9[%swap3A_138, %swap3A_139], %get3A_137 {strides = array<i32>} : memref<200x64xf32, #tpu.memory_space<vmem>>, vector<16xf32>,
        %get3A_141 = arith.index_cast %add3A_134 : i32 to index
        %get3A_142 = arith.constant 16 : index
        %get3A_143 = tpu.vector_load %arg8[%get3A_141, %get3A_142] {strides = array<i32>} : memref<200x128xf32, #tpu.memory_space<vmem>>, vector<16xf32>,
        %swap3A_144 = arith.index_cast %add3A_134 : i32 to index
        %swap3A_145 = arith.constant 16 : index
        %swap3A_146 = tpu.vector_load %arg9[%swap3A_144, %swap3A_145] {strides = array<i32>} : memref<200x64xf32, #tpu.memory_space<vmem>>, vector<16xf32>,
        tpu.vector_store %arg9[%swap3A_144, %swap3A_145], %get3A_143 {strides = array<i32>} : memref<200x64xf32, #tpu.memory_space<vmem>>, vector<16xf32>,
        %get3A_147 = arith.index_cast %add3A_134 : i32 to index
        %get3A_148 = arith.constant 32 : index
        %get3A_149 = tpu.vector_load %arg8[%get3A_147, %get3A_148] {strides = array<i32>} : memref<200x128xf32, #tpu.memory_space<vmem>>, vector<16xf32>,
        %swap3A_150 = arith.index_cast %add3A_134 : i32 to index
        %swap3A_151 = arith.constant 32 : index
        %swap3A_152 = tpu.vector_load %arg9[%swap3A_150, %swap3A_151] {strides = array<i32>} : memref<200x64xf32, #tpu.memory_space<vmem>>, vector<16xf32>,
        tpu.vector_store %arg9[%swap3A_150, %swap3A_151], %get3A_149 {strides = array<i32>} : memref<200x64xf32, #tpu.memory_space<vmem>>, vector<16xf32>,
        %get3A_153 = arith.index_cast %add3A_134 : i32 to index
        %get3A_154 = arith.constant 48 : index
        %get3A_155 = tpu.vector_load %arg8[%get3A_153, %get3A_154] {strides = array<i32>} : memref<200x128xf32, #tpu.memory_space<vmem>>, vector<16xf32>,
        %swap3A_156 = arith.index_cast %add3A_134 : i32 to index
        %swap3A_157 = arith.constant 48 : index
        %swap3A_158 = tpu.vector_load %arg9[%swap3A_156, %swap3A_157] {strides = array<i32>} : memref<200x64xf32, #tpu.memory_space<vmem>>, vector<16xf32>,
        tpu.vector_store %arg9[%swap3A_156, %swap3A_157], %get3A_155 {strides = array<i32>} : memref<200x64xf32, #tpu.memory_space<vmem>>, vector<16xf32>,
        %mul3A_159 = arith.constant 8 : i32
        %mul3A_160 = arith.muli %scan3A_48, %mul3A_159 : i32
        %add3A_161 = arith.constant 4 : i32
        %add3A_162 = arith.addi %mul3A_160, %add3A_161 : i32
        %get3A_163 = arith.index_cast %add3A_162 : i32 to index
        %get3A_164 = arith.constant 0 : index
        %get3A_165 = tpu.vector_load %arg8[%get3A_163, %get3A_164] {strides = array<i32>} : memref<200x128xf32, #tpu.memory_space<vmem>>, vector<16xf32>,
        %swap3A_166 = arith.index_cast %add3A_162 : i32 to index
        %swap3A_167 = arith.constant 0 : index
        %swap3A_168 = tpu.vector_load %arg9[%swap3A_166, %swap3A_167] {strides = array<i32>} : memref<200x64xf32, #tpu.memory_space<vmem>>, vector<16xf32>,
        tpu.vector_store %arg9[%swap3A_166, %swap3A_167], %get3A_165 {strides = array<i32>} : memref<200x64xf32, #tpu.memory_space<vmem>>, vector<16xf32>,
        %get3A_169 = arith.index_cast %add3A_162 : i32 to index
        %get3A_170 = arith.constant 16 : index
        %get3A_171 = tpu.vector_load %arg8[%get3A_169, %get3A_170] {strides = array<i32>} : memref<200x128xf32, #tpu.memory_space<vmem>>, vector<16xf32>,
        %swap3A_172 = arith.index_cast %add3A_162 : i32 to index
        %swap3A_173 = arith.constant 16 : index
        %swap3A_174 = tpu.vector_load %arg9[%swap3A_172, %swap3A_173] {strides = array<i32>} : memref<200x64xf32, #tpu.memory_space<vmem>>, vector<16xf32>,
        tpu.vector_store %arg9[%swap3A_172, %swap3A_173], %get3A_171 {strides = array<i32>} : memref<200x64xf32, #tpu.memory_space<vmem>>, vector<16xf32>,
        %get3A_175 = arith.index_cast %add3A_162 : i32 to index
        %get3A_176 = arith.constant 32 : index
        %get3A_177 = tpu.vector_load %arg8[%get3A_175, %get3A_176] {strides = array<i32>} : memref<200x128xf32, #tpu.memory_space<vmem>>, vector<16xf32>,
        %swap3A_178 = arith.index_cast %add3A_162 : i32 to index
        %swap3A_179 = arith.constant 32 : index
        %swap3A_180 = tpu.vector_load %arg9[%swap3A_178, %swap3A_179] {strides = array<i32>} : memref<200x64xf32, #tpu.memory_space<vmem>>, vector<16xf32>,
        tpu.vector_store %arg9[%swap3A_178, %swap3A_179], %get3A_177 {strides = array<i32>} : memref<200x64xf32, #tpu.memory_space<vmem>>, vector<16xf32>,
        %get3A_181 = arith.index_cast %add3A_162 : i32 to index
        %get3A_182 = arith.constant 48 : index
        %get3A_183 = tpu.vector_load %arg8[%get3A_181, %get3A_182] {strides = array<i32>} : memref<200x128xf32, #tpu.memory_space<vmem>>, vector<16xf32>,
        %swap3A_184 = arith.index_cast %add3A_162 : i32 to index
        %swap3A_185 = arith.constant 48 : index
        %swap3A_186 = tpu.vector_load %arg9[%swap3A_184, %swap3A_185] {strides = array<i32>} : memref<200x64xf32, #tpu.memory_space<vmem>>, vector<16xf32>,
        tpu.vector_store %arg9[%swap3A_184, %swap3A_185], %get3A_183 {strides = array<i32>} : memref<200x64xf32, #tpu.memory_space<vmem>>, vector<16xf32>,
        %mul3A_187 = arith.constant 8 : i32
        %mul3A_188 = arith.muli %scan3A_48, %mul3A_187 : i32
        %add3A_189 = arith.constant 5 : i32
        %add3A_190 = arith.addi %mul3A_188, %add3A_189 : i32
        %get3A_191 = arith.index_cast %add3A_190 : i32 to index
        %get3A_192 = arith.constant 0 : index
        %get3A_193 = tpu.vector_load %arg8[%get3A_191, %get3A_192] {strides = array<i32>} : memref<200x128xf32, #tpu.memory_space<vmem>>, vector<16xf32>,
        %swap3A_194 = arith.index_cast %add3A_190 : i32 to index
        %swap3A_195 = arith.constant 0 : index
        %swap3A_196 = tpu.vector_load %arg9[%swap3A_194, %swap3A_195] {strides = array<i32>} : memref<200x64xf32, #tpu.memory_space<vmem>>, vector<16xf32>,
        tpu.vector_store %arg9[%swap3A_194, %swap3A_195], %get3A_193 {strides = array<i32>} : memref<200x64xf32, #tpu.memory_space<vmem>>, vector<16xf32>,
        %get3A_197 = arith.index_cast %add3A_190 : i32 to index
        %get3A_198 = arith.constant 16 : index
        %get3A_199 = tpu.vector_load %arg8[%get3A_197, %get3A_198] {strides = array<i32>} : memref<200x128xf32, #tpu.memory_space<vmem>>, vector<16xf32>,
        %swap3A_200 = arith.index_cast %add3A_190 : i32 to index
        %swap3A_201 = arith.constant 16 : index
        %swap3A_202 = tpu.vector_load %arg9[%swap3A_200, %swap3A_201] {strides = array<i32>} : memref<200x64xf32, #tpu.memory_space<vmem>>, vector<16xf32>,
        tpu.vector_store %arg9[%swap3A_200, %swap3A_201], %get3A_199 {strides = array<i32>} : memref<200x64xf32, #tpu.memory_space<vmem>>, vector<16xf32>,
        %get3A_203 = arith.index_cast %add3A_190 : i32 to index
        %get3A_204 = arith.constant 32 : index
        %get3A_205 = tpu.vector_load %arg8[%get3A_203, %get3A_204] {strides = array<i32>} : memref<200x128xf32, #tpu.memory_space<vmem>>, vector<16xf32>,
        %swap3A_206 = arith.index_cast %add3A_190 : i32 to index
        %swap3A_207 = arith.constant 32 : index
        %swap3A_208 = tpu.vector_load %arg9[%swap3A_206, %swap3A_207] {strides = array<i32>} : memref<200x64xf32, #tpu.memory_space<vmem>>, vector<16xf32>,
        tpu.vector_store %arg9[%swap3A_206, %swap3A_207], %get3A_205 {strides = array<i32>} : memref<200x64xf32, #tpu.memory_space<vmem>>, vector<16xf32>,
        %get3A_209 = arith.index_cast %add3A_190 : i32 to index
        %get3A_210 = arith.constant 48 : index
        %get3A_211 = tpu.vector_load %arg8[%get3A_209, %get3A_210] {strides = array<i32>} : memref<200x128xf32, #tpu.memory_space<vmem>>, vector<16xf32>,
        %swap3A_212 = arith.index_cast %add3A_190 : i32 to index
        %swap3A_213 = arith.constant 48 : index
        %swap3A_214 = tpu.vector_load %arg9[%swap3A_212, %swap3A_213] {strides = array<i32>} : memref<200x64xf32, #tpu.memory_space<vmem>>, vector<16xf32>,
        tpu.vector_store %arg9[%swap3A_212, %swap3A_213], %get3A_211 {strides = array<i32>} : memref<200x64xf32, #tpu.memory_space<vmem>>, vector<16xf32>,
        %mul3A_215 = arith.constant 8 : i32
        %mul3A_216 = arith.muli %scan3A_48, %mul3A_215 : i32
        %add3A_217 = arith.constant 6 : i32
        %add3A_218 = arith.addi %mul3A_216, %add3A_217 : i32
        %get3A_219 = arith.index_cast %add3A_218 : i32 to index
        %get3A_220 = arith.constant 0 : index
        %get3A_221 = tpu.vector_load %arg8[%get3A_219, %get3A_220] {strides = array<i32>} : memref<200x128xf32, #tpu.memory_space<vmem>>, vector<16xf32>,
        %swap3A_222 = arith.index_cast %add3A_218 : i32 to index
        %swap3A_223 = arith.constant 0 : index
        %swap3A_224 = tpu.vector_load %arg9[%swap3A_222, %swap3A_223] {strides = array<i32>} : memref<200x64xf32, #tpu.memory_space<vmem>>, vector<16xf32>,
        tpu.vector_store %arg9[%swap3A_222, %swap3A_223], %get3A_221 {strides = array<i32>} : memref<200x64xf32, #tpu.memory_space<vmem>>, vector<16xf32>,
        %get3A_225 = arith.index_cast %add3A_218 : i32 to index
        %get3A_226 = arith.constant 16 : index
        %get3A_227 = tpu.vector_load %arg8[%get3A_225, %get3A_226] {strides = array<i32>} : memref<200x128xf32, #tpu.memory_space<vmem>>, vector<16xf32>,
        %swap3A_228 = arith.index_cast %add3A_218 : i32 to index
        %swap3A_229 = arith.constant 16 : index
        %swap3A_230 = tpu.vector_load %arg9[%swap3A_228, %swap3A_229] {strides = array<i32>} : memref<200x64xf32, #tpu.memory_space<vmem>>, vector<16xf32>,
        tpu.vector_store %arg9[%swap3A_228, %swap3A_229], %get3A_227 {strides = array<i32>} : memref<200x64xf32, #tpu.memory_space<vmem>>, vector<16xf32>,
        %get3A_231 = arith.index_cast %add3A_218 : i32 to index
        %get3A_232 = arith.constant 32 : index
        %get3A_233 = tpu.vector_load %arg8[%get3A_231, %get3A_232] {strides = array<i32>} : memref<200x128xf32, #tpu.memory_space<vmem>>, vector<16xf32>,
        %swap3A_234 = arith.index_cast %add3A_218 : i32 to index
        %swap3A_235 = arith.constant 32 : index
        %swap3A_236 = tpu.vector_load %arg9[%swap3A_234, %swap3A_235] {strides = array<i32>} : memref<200x64xf32, #tpu.memory_space<vmem>>, vector<16xf32>,
        tpu.vector_store %arg9[%swap3A_234, %swap3A_235], %get3A_233 {strides = array<i32>} : memref<200x64xf32, #tpu.memory_space<vmem>>, vector<16xf32>,
        %get3A_237 = arith.index_cast %add3A_218 : i32 to index
        %get3A_238 = arith.constant 48 : index
        %get3A_239 = tpu.vector_load %arg8[%get3A_237, %get3A_238] {strides = array<i32>} : memref<200x128xf32, #tpu.memory_space<vmem>>, vector<16xf32>,
        %swap3A_240 = arith.index_cast %add3A_218 : i32 to index
        %swap3A_241 = arith.constant 48 : index
        %swap3A_242 = tpu.vector_load %arg9[%swap3A_240, %swap3A_241] {strides = array<i32>} : memref<200x64xf32, #tpu.memory_space<vmem>>, vector<16xf32>,
        tpu.vector_store %arg9[%swap3A_240, %swap3A_241], %get3A_239 {strides = array<i32>} : memref<200x64xf32, #tpu.memory_space<vmem>>, vector<16xf32>,
        %mul3A_243 = arith.constant 8 : i32
        %mul3A_244 = arith.muli %scan3A_48, %mul3A_243 : i32
        %add3A_245 = arith.constant 7 : i32
        %add3A_246 = arith.addi %mul3A_244, %add3A_245 : i32
        %get3A_247 = arith.index_cast %add3A_246 : i32 to index
        %get3A_248 = arith.constant 0 : index
        %get3A_249 = tpu.vector_load %arg8[%get3A_247, %get3A_248] {strides = array<i32>} : memref<200x128xf32, #tpu.memory_space<vmem>>, vector<16xf32>,
        %swap3A_250 = arith.index_cast %add3A_246 : i32 to index
        %swap3A_251 = arith.constant 0 : index
        %swap3A_252 = tpu.vector_load %arg9[%swap3A_250, %swap3A_251] {strides = array<i32>} : memref<200x64xf32, #tpu.memory_space<vmem>>, vector<16xf32>,
        tpu.vector_store %arg9[%swap3A_250, %swap3A_251], %get3A_249 {strides = array<i32>} : memref<200x64xf32, #tpu.memory_space<vmem>>, vector<16xf32>,
        %get3A_253 = arith.index_cast %add3A_246 : i32 to index
        %get3A_254 = arith.constant 16 : index
        %get3A_255 = tpu.vector_load %arg8[%get3A_253, %get3A_254] {strides = array<i32>} : memref<200x128xf32, #tpu.memory_space<vmem>>, vector<16xf32>,
        %swap3A_256 = arith.index_cast %add3A_246 : i32 to index
        %swap3A_257 = arith.constant 16 : index
        %swap3A_258 = tpu.vector_load %arg9[%swap3A_256, %swap3A_257] {strides = array<i32>} : memref<200x64xf32, #tpu.memory_space<vmem>>, vector<16xf32>,
        tpu.vector_store %arg9[%swap3A_256, %swap3A_257], %get3A_255 {strides = array<i32>} : memref<200x64xf32, #tpu.memory_space<vmem>>, vector<16xf32>,
        %get3A_259 = arith.index_cast %add3A_246 : i32 to index
        %get3A_260 = arith.constant 32 : index
        %get3A_261 = tpu.vector_load %arg8[%get3A_259, %get3A_260] {strides = array<i32>} : memref<200x128xf32, #tpu.memory_space<vmem>>, vector<16xf32>,
        %swap3A_262 = arith.index_cast %add3A_246 : i32 to index
        %swap3A_263 = arith.constant 32 : index
        %swap3A_264 = tpu.vector_load %arg9[%swap3A_262, %swap3A_263] {strides = array<i32>} : memref<200x64xf32, #tpu.memory_space<vmem>>, vector<16xf32>,
        tpu.vector_store %arg9[%swap3A_262, %swap3A_263], %get3A_261 {strides = array<i32>} : memref<200x64xf32, #tpu.memory_space<vmem>>, vector<16xf32>,
        %get3A_265 = arith.index_cast %add3A_246 : i32 to index
        %get3A_266 = arith.constant 48 : index
        %get3A_267 = tpu.vector_load %arg8[%get3A_265, %get3A_266] {strides = array<i32>} : memref<200x128xf32, #tpu.memory_space<vmem>>, vector<16xf32>,
        %swap3A_268 = arith.index_cast %add3A_246 : i32 to index
        %swap3A_269 = arith.constant 48 : index
        %swap3A_270 = tpu.vector_load %arg9[%swap3A_268, %swap3A_269] {strides = array<i32>} : memref<200x64xf32, #tpu.memory_space<vmem>>, vector<16xf32>,
        tpu.vector_store %arg9[%swap3A_268, %swap3A_269], %get3A_267 {strides = array<i32>} : memref<200x64xf32, #tpu.memory_space<vmem>>, vector<16xf32>,
      }
      %scan3A_46 = arith.constant 25 : i32
      %add3A_47 = arith.addi %mul3A_2, %add3A_37 : i32
      "tpu.region"() ({
        %run_scoped3A = tpu.sem_alloc : memref<!tpu.dma_semaphore, #tpu.memory_space<semaphore_mem>>
        %dma_start3A_48 = arith.constant 0 : i32
        %dma_start3A_49 = arith.constant 0 : i32
        %dma_start3A_50 = tpu.memref_slice %arg4[%add3A_47, %dma_start3A_48, %dma_start3A_49] : memref<4096x200x64xf32, #tpu.memory_space<hbm>> -> memref<1x200x64xf32, #tpu.memory_space<hbm>>
        %dma_start3A_51 = tpu.memref_squeeze %dma_start3A_50 : memref<1x200x64xf32, #tpu.memory_space<hbm>> -> memref<200x64xf32, #tpu.memory_space<hbm>>
        %dma_start3A_52 = arith.constant 0 : i32
        %dma_start3A_53 = arith.constant 0 : i32
        %dma_start3A_54 = tpu.memref_slice %arg4[%add3A_47, %dma_start3A_52, %dma_start3A_53] : memref<4096x200x64xf32, #tpu.memory_space<hbm>> -> memref<1x200x64xf32, #tpu.memory_space<hbm>>
        %dma_start3A_55 = tpu.memref_squeeze %dma_start3A_54 : memref<1x200x64xf32, #tpu.memory_space<hbm>> -> memref<200x64xf32, #tpu.memory_space<hbm>>
        tpu.enqueue_dma source(%arg9 : memref<200x64xf32, #tpu.memory_space<vmem>>) target(%dma_start3A_55 : memref<200x64xf32, #tpu.memory_space<hbm>>) target_semaphore(%run_scoped3A : memref<!tpu.dma_semaphore, #tpu.memory_space<semaphore_mem>>)
        %dma_wait3A_56 = arith.constant 0 : i32
        %dma_wait3A_57 = arith.constant 0 : i32
        %dma_wait3A_58 = tpu.memref_slice %arg4[%add3A_47, %dma_wait3A_56, %dma_wait3A_57] : memref<4096x200x64xf32, #tpu.memory_space<hbm>> -> memref<1x200x64xf32, #tpu.memory_space<hbm>>
        %dma_wait3A_59 = tpu.memref_squeeze %dma_wait3A_58 : memref<1x200x64xf32, #tpu.memory_space<hbm>> -> memref<200x64xf32, #tpu.memory_space<hbm>>
        %dma_wait3A_60 = arith.constant 0 : i32
        %dma_wait3A_61 = arith.constant 0 : i32
        %dma_wait3A_62 = tpu.memref_slice %arg4[%add3A_47, %dma_wait3A_60, %dma_wait3A_61] : memref<4096x200x64xf32, #tpu.memory_space<hbm>> -> memref<1x200x64xf32, #tpu.memory_space<hbm>>
        %dma_wait3A_63 = tpu.memref_squeeze %dma_wait3A_62 : memref<1x200x64xf32, #tpu.memory_space<hbm>> -> memref<200x64xf32, #tpu.memory_space<hbm>>
        tpu.wait_dma2 semaphore(%run_scoped3A : memref<!tpu.dma_semaphore, #tpu.memory_space<semaphore_mem>>) src(%arg9 : memref<200x64xf32, #tpu.memory_space<vmem>>) dst(%dma_wait3A_63 : memref<200x64xf32, #tpu.memory_space<hbm>>)
        tpu.yield
      }) : () -> ()
    }
    %scan3A_13 = arith.constant 64 : i32
    return
  }
}

</mosaic_0001>

<sc_bundles>
// kernel: _embedding_lookup.3.cloned.1.call-start
scs
__scs_entry_jumppad:
0x0: {  	(pc) =	sbr.rel $0x88, $3  }
0x1: {  	(tag) =	ssettag $0x0;
	lr =	simm.s32 $0x1  }
0x2: {  	[smem:$0x3F9F] =	sst lr;
	_ =	strace $0xD0000000  }
0x3: {  	_ = 	snop  }
0x4: {  	_ = 	snop  }
0x5: {  	_ = 	snop  }
0x6: {  	_ = 	snop  }
0x7: {  	_ = 	snop  }
__scs_overlays_trampoline_lowered:
0x8: {  	[smem:$0x3FAE] =	sst s0  }
0x9: {  	[smem:$0x3FAF] =	sst s1  }
0xa: {  	[smem:$0x3FB0] =	sst s2  }
0xb: {  	[smem:$0x3FB1] =	sst s3  }
0xc: {  	[smem:$0x3FB2] =	sst s4  }
0xd: {  	[smem:$0x3FB3] =	sst s5  }
0xe: {  	[smem:$0x3FB4] =	sst s6  }
0xf: {  	[smem:$0x3FB5] =	sst s7  }
0x10: {  	[smem:$0x3FB6] =	sst s8  }
0x11: {  	[smem:$0x3FB7] =	sst s9;
	s0 =	simm.s32 @!p0 $0x0  }
0x12: {  	s1 =	sld [smem:$0x3F9D];
	s0 =	simm.s32 @p0 $0x1  }
0x13: {  	[smem:$0x3FB8] =	sst s0;
	s0 =	simm.s32 @!p1 $0x0  }
0x14: {  	s2 =	sld [smem:$0x3F9C];
	s0 =	simm.s32 @p1 $0x1  }
0x15: {  	[smem:$0x3FB9] =	sst s0;
	s0 =	simm.s32 @!p2 $0x0  }
0x16: {  	s3 =	sld [smem:$0x3FDB];
	s0 =	simm.s32 @p2 $0x1  }
0x17: {  	s4 =	simm.s32 $0x1BF5;
	[smem:$0x3FBB] =	sst s0  }
0x18: {  	s0 =	sld [smem:$0x3F9E];
	_ =	swait.ge [sflag:s4], $0x0  }
0x19: {  	s7 =	sld [smem:$0x3F9F]  }
0x1a: {  	s8 =	sadd.s32 $0xFFFFE003, lr  }
0x1b: {  	s9 =	sadd.s32 $0xFFFFFEF7, lr;
	s5 =	simm.s32 $0xFFFFFFFF;
	p2 =	slt.u32 s8, $0xFFFFF086  }
0x1c: {  	p1 =	slt.u32 s9, $0xF7A;
	s5 =	simm.s32 @!p2 $0x0  }
0x1d: {  	s5 =	simm.s32 @p1 $0x1;
	p0 =	seq.s32 s7, s2  }
0x1e: {  	s7 =	smul.u32 @!p0 $0xF7A, s2;
	p2 =	seq.s32 @!p0 s5, $0x0  }
0x1f: {  	s9 =	smul.u32 $0xF7A, s1;
	s8 =	simm.s32 @!p0 $0x1BF5;
	p2 =	por !p2, p0  }
0x20: {  	[sflag:s8] =	ssyncset.s32 @!p0 $0xFFFFF086;
	s6 =	sadd.s32 @!p0 s3, s7;
	s7 =	simm.s32 @!p0 $0x108  }
0x21: {  	s3 =	sadd.s32 s3, s9;
	s6 =	sadd.s32 @!p0 $0x88, s6;
	s7 =	simm.s32 @p2 $0x1082  }
0x22: {  	[simem:s7], [sflag:s8] =	dma.local @!p0 [hbm:s6], $0xF7A  }
0x23: {  	s9 =	sor.u32 $0xD0000000, s2;
	s6 =	simm.s32 $0x108;
	_ =	swait.ge @!p0 [sflag:s8], $0x0  }
0x24: {  	s3 =	sadd.s32 $0x88, s3;
	s6 =	simm.s32 @!p1 $0x1082;
	[sflag:s4] =	ssyncset.s32 $0xFFFFF086  }
0x25: {  	[simem:s6], [sflag:s4] =	dma.local [hbm:s3], $0xF7A  }
0x26: {  	[smem:$0x3F9F] =	sst s1;
	(tag) =	ssettag s2;
	_ =	strace s9  }
0x27: {  	s1 =	sld [smem:$0x3FAF]  }
0x28: {  	s2 =	sld [smem:$0x3FB0]  }
0x29: {  	s4 =	sld [smem:$0x3FB2]  }
0x2a: {  	p0 =	seq.s32 s5, $0x0;
	s5 =	sld [smem:$0x3FB3]  }
0x2b: {  	s6 =	sld [smem:$0x3FB4]  }
0x2c: {  	s7 =	sld [smem:$0x3FB5]  }
0x2d: {  	s3 =	simm.s32 $0x108;
	s8 =	sld [smem:$0x3FB6]  }
0x2e: {  	s3 =	simm.s32 @!p0 $0x1082;
	s9 =	sld [smem:$0x3FB7]  }
0x2f: {  	lr =	sadd.s32 s0, s3;
	s0 =	sld [smem:$0x3FAE]  }
0x30: {  	s3 =	sld [smem:$0x3FB1]  }
0x31: {  	[smem:$0x3FBA] =	sst s10  }
0x32: {  	s10 =	sld [smem:$0x3FB8];
	_ =	sdelay $0x3  }
0x33: {  	p0 =	seq.s32 s10, $0x1;
	s10 =	sld [smem:$0x3FBA];
	_ =	sdelay $0x3  }
0x34: {  	[smem:$0x3FBA] =	sst s10  }
0x35: {  	s10 =	sld [smem:$0x3FB9];
	_ =	sdelay $0x3  }
0x36: {  	p1 =	seq.s32 s10, $0x1;
	s10 =	sld [smem:$0x3FBA];
	_ =	sdelay $0x3  }
0x37: {  	[smem:$0x3FBA] =	sst s10  }
0x38: {  	s10 =	sld [smem:$0x3FBB]  }
0x39: {  	_ = 	snop;
	(pc) =	sbr.ind lr, $3  }
0x3a: {  	_ = 	snop  }
0x3b: {  	_ = 	snop  }
0x3c: {  	p2 =	seq.s32 s10, $0x1;
	s10 =	sld [smem:$0x3FBA]  }
0x3d: {  	_ =	shalt  }
0x3e: {  	_ =	shalt  }
0x3f: {  	_ =	shalt  }
0x40: {  	_ =	shalt  }
0x41: {  	_ =	shalt  }
0x42: {  	_ =	shalt  }
0x43: {  	_ =	shalt  }
0x44: {  	_ =	shalt  }
0x45: {  	_ =	shalt  }
0x46: {  	_ =	shalt  }
0x47: {  	_ =	shalt  }
0x48: {  	_ =	shalt  }
0x49: {  	_ =	shalt  }
0x4a: {  	_ =	shalt  }
0x4b: {  	_ =	shalt  }
0x4c: {  	_ =	shalt  }
0x4d: {  	_ =	shalt  }
0x4e: {  	_ =	shalt  }
0x4f: {  	_ =	shalt  }
0x50: {  	_ =	shalt  }
0x51: {  	_ =	shalt  }
0x52: {  	_ =	shalt  }
0x53: {  	_ =	shalt  }
0x54: {  	_ =	shalt  }
0x55: {  	_ =	shalt  }
0x56: {  	_ =	shalt  }
0x57: {  	_ =	shalt  }
0x58: {  	_ =	shalt  }
0x59: {  	_ =	shalt  }
0x5a: {  	_ =	shalt  }
0x5b: {  	_ =	shalt  }
0x5c: {  	_ =	shalt  }
0x5d: {  	_ =	shalt  }
0x5e: {  	_ =	shalt  }
0x5f: {  	_ =	shalt  }
0x60: {  	_ =	shalt  }
0x61: {  	_ =	shalt  }
0x62: {  	_ =	shalt  }
0x63: {  	_ =	shalt  }
0x64: {  	_ =	shalt  }
0x65: {  	_ =	shalt  }
0x66: {  	_ =	shalt  }
0x67: {  	_ =	shalt  }
0x68: {  	_ =	shalt  }
0x69: {  	_ =	shalt  }
0x6a: {  	_ =	shalt  }
0x6b: {  	_ =	shalt  }
0x6c: {  	_ =	shalt  }
0x6d: {  	_ =	shalt  }
0x6e: {  	_ =	shalt  }
0x6f: {  	_ =	shalt  }
0x70: {  	_ =	shalt  }
0x71: {  	_ =	shalt  }
0x72: {  	_ =	shalt  }
0x73: {  	_ =	shalt  }
0x74: {  	_ =	shalt  }
0x75: {  	_ =	shalt  }
0x76: {  	_ =	shalt  }
0x77: {  	_ =	shalt  }
0x78: {  	_ =	shalt  }
0x79: {  	_ =	shalt  }
0x7a: {  	_ =	shalt  }
0x7b: {  	_ =	shalt  }
0x7c: {  	_ =	shalt  }
0x7d: {  	_ =	shalt  }
0x7e: {  	_ =	shalt  }
0x7f: {  	_ =	shalt  }
0x80: {  	_ =	shalt  }
0x81: {  	_ =	shalt  }
0x82: {  	_ =	shalt  }
0x83: {  	_ =	shalt  }
0x84: {  	_ =	shalt  }
0x85: {  	_ =	shalt  }
0x86: {  	_ =	shalt  }
0x87: {  	_ =	shalt  }
.Lfunc_end0:
.L_simem_size_0:
called_computation_lowered:
.L_overlay_start_0:
0x88: {  	s2 =	sld [smem:$0x3FD9]  }
0x89: {  	s3 =	sld [smem:$0x3FFE];
	_ =	sdelay $0x1  }
0x8a: {  	s1 =	srdreg.scid  }
0x8b: {  	s0 =	sand.u32 $0x1, s1  }
0x8c: {  	s17 =	sshll.u32 s0, $0xA;
	s2 =	sadd.s32 s3, s2  }
0x8d: {  	s2 =	sadd.s32 s2, s17  }
0x8e: {  	[smem:$0x3FC6] =	sst s2  }
0x8f: {  	_ = 	snop  }
0x90: {  	s2 =	sld [smem:$0x3FC9]  }
0x91: {  	s18 =	sld [smem:$0x3FC8];
	(tm) =	ssettm $0x1  }
0x92: {  	s4 =	sld [smem:$0x3FFB];
	_ =	sdelay $0x3  }
0x93: {  	_ =	strace s4  }
0x94: {  	s4 =	sld [smem:$0x3FFC];
	_ =	sdelay $0x3  }
0x95: {  	_ =	strace s4  }
0x96: {  	s4 =	sld [smem:$0x3FFD];
	_ =	sdelay $0x3  }
0x97: {  	_ =	strace s4  }
0x98: {  	_ =	strace $0x8FFFFFFF  }
0x99: {  	s19 =	sld [smem:$0x3FDB];
	_ =	sdelay $0x1  }
0x9a: {  	s5 =	simm.s32 $_scs_section_size  }
0x9b: {  	s6 =	simm.s32 $_size__tile_overlayer_lowered;
	s7 =	simm.s32 $_tile_overlayer_lowered  }
0x9c: {  	s22 =	simm.s32 $0x1BFF;
	s21 =	sshll.u32 s7, $0x1;
	s4 =	sadd.s32 s5, s19  }
0x9d: {  	s8 =	simm.s32 $0x0;
	s20 =	sshll.u32 s6, $0x1;
	s6 =	sadd.s32 s21, s4  }
0x9e: {  	[timem:s8], [sflag:s22] =	dma.local [hbm:s6], s20  }
0x9f: {  	_ =	swait.ge [sflag:s22], s20  }
0xa0: {  	s5 =	ssub.s32 $0x0, s20;
	[sflag:s22] =	ssyncset.done $0x0  }
0xa1: {  	[sflag:s22] =	ssyncadd.s32 s5;
	_ =	sdelay $0x1  }
0xa2: {  	s23 =	simm.s32 $0x1B8B  }
0xa3: {  	_ =	swait.ge [sflag:s23], $0x1  }
0xa4: {  	[sflag:s23] =	ssyncset.done $0x0  }
0xa5: {  	s25 =	simm.s32 $0x1B8E;
	s24 =	sld [smem:$0x3FFE];
	[sflag:s23] =	ssyncadd.s32 $0xFFFFFFFF  }
0xa6: {  	s26 =	simm.s32 $execute0_lowered;
	[smem:$0x3FD2] =	sst s25  }
0xa7: {  	s6 =	sshll.u32 s26, $0x1;
	_ =	strace $0x80000046;
	[dreg:$0x1] =	wrdreg $0xFFFFFFFF  }
0xa8: {  	s28 =	simm.s32 $_size_execute0_lowered;
	s4 =	sadd.s32 s4, s6;
	[dreg:$0x0] =	wrdreg $0x0  }
0xa9: {  	s6 =	sshll.u32 s28, $0x1;
	[dreg:$0x2] =	wrdreg s4  }
0xaa: {  	[dreg:$0x3] =	wrdreg s6  }
0xab: {  	[dreg:$0x4] =	wrdreg $0xC0  }
0xac: {  	_ =	task [dreg:s8], $0x5FFFF  }
0xad: {  	[dreg:$0x1] =	wrdreg $0xFFFFFFFF  }
0xae: {  	[dreg:$0x0] =	wrdreg $0x60  }
0xaf: {  	[dreg:$0x2] =	wrdreg s18  }
0xb0: {  	[dreg:$0x3] =	wrdreg s2  }
0xb1: {  	[dreg:$0x4] =	wrdreg s24  }
0xb2: {  	[dreg:$0x5] =	wrdreg $0x9  }
0xb3: {  	_ =	task.clear_ibuf [dreg:s8], $0x6FFFF;
	_ =	strace $0x90000046  }
0xb4: {  	s29 =	simm.s32 $0x9;
	_ =	strace $0x80000048  }
0xb5: {  	_ =	swait.ge [sflag:s29], $0x1  }
0xb6: {  	[sflag:s29] =	ssyncadd.s32 $0xFFFFFFFF  }
0xb7: {  	_ =	strace $0x90000048  }
0xb8: {  	_ =	sfence  }
0xb9: {  	s30 =	sld [smem:$0x0];
	_ =	sdelay $0x2  }
0xba: {  	s31 =	sshll.u32 s1, $0xD;
	s1 =	sshrl.u32 s1, $0x2  }
0xbb: {  	s3 =	sand.u32 $0x4000, s31;
	s1 =	sadd.s32 s1, s30  }
0xbc: {  	s0 =	sor.u32 s3, s0;
	s1 =	sshll.u32 s1, $0x11  }
0xbd: {  	s0 =	sor.u32 s1, s0  }
0xbe: {  	s0 =	sadd.s32 $0x8F2B, s0  }
0xbf: {  	[sflag:s0] =	ssyncadd.remote.s32 $0x1  }
0xc0: {  	_ =	sfence.sel $0xFFFF  }
0xc1: {  	[dreg:$0x0] =	wrdreg $0xFFFFFFFF;
	(pc) =	sbr.abs _section_cstart, $3  }
0xc2: {  	[dreg:$0x1] =	wrdreg $0xFFFFFFFF  }
0xc3: {  	_ =	task.clear_ibuf [dreg:s8], $0x2FFFF;
	_ =	strace $0x9FFFFFFF  }
0xc4: {  	(tm) =	ssettm $0x7FFFFFFF  }
0xc5: {  	_ =	shalt  }
tec
execute0_lowered:
.L_overlay_start_1:
0x0: {  	(tag) =	ssettag $0x1  }
0x1: {  	s1 =	rddreg [dreg:$0x0]  }
0x2: {  	s3 =	rddreg [dreg:$0x1]  }
0x3: {  	s2 =	srdreg.scid;
	s0 =	stileid.u32  }
0x4: {  	s5 =	rddreg [dreg:$0x2];
	s4 =	simm.s32 $0x0;
	s11 =	simm.s32 $0x3  }
0x5: {  	s12 =	simm.s32 $0xC8;
	s13 =	simm.s32 $0x200;
	s14 =	simm.s32 $0x100  }
0x6: {  	s15 =	simm.s32 $0x6600;
	s16 =	simm.s32 $0x1;
	s17 =	simm.s32 $0xCA00  }
0x7: {  	s18 =	simm.s32 $0x2;
	s6 =	sand.u32 $0x1, s2;
	s7 =	sshll.u32 s0, $0x1  }
0x8: {  	s19 =	simm.s32 $0x0;
	s2 =	rddreg [dreg:$0x3];
	s7 =	sor.u32 s6, s7  }
0x9: {  	[smem:$0x7FF] =	sst s4;
	s6 =	ssub.s32 $0x2, s6;
	s8 =	smul.u32 $0xC80, s7  }
0xa: {  	s5 =	sadd.s32 $0x400, s5;
	_ =	strace $0x80000047;
	s9 =	sshrl.u32 s6, $0x1  }
0xb: {  	s9 =	ssub.s32 s6, s9;
	s6 =	sshll.u32 s7, $0x7;
	s7 =	sadd.s32 s3, s8  }
0xc: {  	s8 =	sor.u32 $0x2, s6;
	s9 =	smax.u32 s9, $0x1;
	s10 =	sor.u32 $0x1, s6  }
.LBB2_1:
0xd: {  	[tilespmem:s4], [sflag:$0x3] =	stream.linear.gather [hbm4b:s7+s4], $0xC8, $0x38;
	[tilespmem:$0x12E00] =	vst v63  }
0xe: {  	_ =	swait.ge [sflag:s11], $0xC8  }
0xf: {  	[sflag:s11] =	ssyncset.done $0x0  }
0x10: {  	s20 =	simm.s32 $0x0;
	[sflag:s11] =	ssyncadd.s32 $0xFFFFFF38  }
0x11: {  	[tilespmem:s13], [sflag:$0x1] =	stream.indirect.gather [hbm4b:s1+s12], $0x80, s4, s12, $0xb8;
	[tilespmem:$0x12E00] =	vst v63  }
.LBB2_2:
0x12: {  	s22 =	sshll.u32 s20, $0x1  }
0x13: {  	s21 =	sor.u32 s10, s22  }
0x14: {  	s23 =	smul.u32 $0x19, s21;
	_ =	sdelay $0x1  }
0x15: {  	s24 =	simm.s32 $0x0;
	s23 =	sadd.s32 s3, s23  }
0x16: {  	[tilespmem:s14], [sflag:$0x3] =	stream.linear.gather [hbm4b:s23+s24], $0xC8, $0x38;
	[tilespmem:$0x12E00] =	vst v63  }
0x17: {  	_ =	swait.ge [sflag:s11], $0xC8  }
0x18: {  	[sflag:s11] =	ssyncset.done $0x0  }
0x19: {  	[sflag:s11] =	ssyncadd.s32 $0xFFFFFF38  }
0x1a: {  	[tilespmem:s15], [sflag:$0x2] =	stream.indirect.gather [hbm4b:s1+s12], $0x80, s14, s12, $0xb8;
	[tilespmem:$0x12E00] =	vst v63  }
0x1b: {  	_ =	swait.ge [sflag:s16], $0x6400  }
0x1c: {  	[sflag:s16] =	ssyncset.done $0x0  }
0x1d: {  	s23 =	simm.s32 $0x0;
	[sflag:s16] =	ssyncadd.s32 $0xFFFF9C00  }
0x1e: {  	v0 =	vld [tilespmem:s23+$0x5B0]  }
0x1f: {  	v1 =	vld [tilespmem:s23+$0x200]  }
0x20: {  	v2 =	vld [tilespmem:s23+$0x210]  }
0x21: {  	v3 =	vld [tilespmem:s23+$0x220]  }
0x22: {  	v4 =	vld [tilespmem:s23+$0x230]  }
0x23: {  	v5 =	vld [tilespmem:s23+$0x280];
	[tilespmem:s23+$0xCDB0] =	vst v0  }
0x24: {  	[tilespmem:s23+$0xCA00] =	vst v1;
	v0 =	vld [tilespmem:s23+$0x290]  }
0x25: {  	[tilespmem:s23+$0xCA10] =	vst v2;
	v1 =	vld [tilespmem:s23+$0x2A0]  }
0x26: {  	[tilespmem:s23+$0xCA20] =	vst v3;
	v2 =	vld [tilespmem:s23+$0x2B0]  }
0x27: {  	[tilespmem:s23+$0xCA30] =	vst v4;
	v3 =	vld [tilespmem:s23+$0x300]  }
0x28: {  	[tilespmem:s23+$0xCA80] =	vst v5;
	v4 =	vld [tilespmem:s23+$0x310]  }
0x29: {  	v5 =	vld [tilespmem:s23+$0x510];
	[tilespmem:s23+$0xCA90] =	vst v0  }
0x2a: {  	v0 =	vld [tilespmem:s23+$0x320];
	[tilespmem:s23+$0xCAA0] =	vst v1  }
0x2b: {  	v1 =	vld [tilespmem:s23+$0x330];
	[tilespmem:s23+$0xCAB0] =	vst v2  }
0x2c: {  	v2 =	vld [tilespmem:s23+$0x380];
	[tilespmem:s23+$0xCB00] =	vst v3  }
0x2d: {  	v3 =	vld [tilespmem:s23+$0x390];
	[tilespmem:s23+$0xCB10] =	vst v4  }
0x2e: {  	v4 =	vld [tilespmem:s23+$0x3A0];
	[tilespmem:s23+$0xCD10] =	vst v5  }
0x2f: {  	[tilespmem:s23+$0xCB20] =	vst v0;
	v0 =	vld [tilespmem:s23+$0x3B0]  }
0x30: {  	[tilespmem:s23+$0xCB30] =	vst v1;
	v1 =	vld [tilespmem:s23+$0x400]  }
0x31: {  	[tilespmem:s23+$0xCB80] =	vst v2;
	v2 =	vld [tilespmem:s23+$0x410]  }
0x32: {  	[tilespmem:s23+$0xCB90] =	vst v3;
	v3 =	vld [tilespmem:s23+$0x420]  }
0x33: {  	[tilespmem:s23+$0xCBA0] =	vst v4;
	v4 =	vld [tilespmem:s23+$0x430]  }
0x34: {  	[tilespmem:s23+$0xCBB0] =	vst v0;
	v0 =	vld [tilespmem:s23+$0x480]  }
0x35: {  	[tilespmem:s23+$0xCC00] =	vst v1;
	v1 =	vld [tilespmem:s23+$0x490]  }
0x36: {  	[tilespmem:s23+$0xCC10] =	vst v2;
	v2 =	vld [tilespmem:s23+$0x4A0]  }
0x37: {  	[tilespmem:s23+$0xCC20] =	vst v3;
	v3 =	vld [tilespmem:s23+$0x4B0]  }
0x38: {  	[tilespmem:s23+$0xCC30] =	vst v4;
	v4 =	vld [tilespmem:s23+$0x500]  }
0x39: {  	[tilespmem:s23+$0xCC80] =	vst v0;
	v0 =	vld [tilespmem:s23+$0x520]  }
0x3a: {  	[tilespmem:s23+$0xCC90] =	vst v1;
	v1 =	vld [tilespmem:s23+$0x530]  }
0x3b: {  	[tilespmem:s23+$0xCCA0] =	vst v2;
	v2 =	vld [tilespmem:s23+$0x580]  }
0x3c: {  	[tilespmem:s23+$0xCCB0] =	vst v3;
	v3 =	vld [tilespmem:s23+$0x590]  }
0x3d: {  	s25 =	simm.s32 $0x400;
	s24 =	simm.s32 $0x2000;
	[tilespmem:s23+$0xCD00] =	vst v4;
	v4 =	vld [tilespmem:s23+$0x5A0]  }
.LBB2_3:
0x3e: {  	p0 =	sne.s32 s24, $0x18000;
	v5 =	vld [tilespmem:s25+$0x5B0];
	[tilespmem:s23+$0xCD20] =	vst v0  }
0x3f: {  	v0 =	vld [tilespmem:s25+$0x200];
	[tilespmem:s23+$0xCD30] =	vst v1  }
0x40: {  	v1 =	vld [tilespmem:s25+$0x210];
	[tilespmem:s23+$0xCD80] =	vst v2  }
0x41: {  	v2 =	vld [tilespmem:s25+$0x220];
	[tilespmem:s23+$0xCD90] =	vst v3  }
0x42: {  	v3 =	vld [tilespmem:s25+$0x230];
	[tilespmem:s23+$0xCDA0] =	vst v4;
	s23 =	smov.u32 s25  }
0x43: {  	v4 =	vld [tilespmem:s23+$0x280];
	[tilespmem:s23+$0xCDB0] =	vst v5  }
0x44: {  	[tilespmem:s23+$0xCA00] =	vst v0;
	v0 =	vld [tilespmem:s23+$0x290]  }
0x45: {  	[tilespmem:s23+$0xCA10] =	vst v1;
	v1 =	vld [tilespmem:s23+$0x2A0]  }
0x46: {  	[tilespmem:s23+$0xCA20] =	vst v2;
	v2 =	vld [tilespmem:s23+$0x2B0]  }
0x47: {  	[tilespmem:s23+$0xCA30] =	vst v3;
	v3 =	vld [tilespmem:s23+$0x300]  }
0x48: {  	[tilespmem:s23+$0xCA80] =	vst v4;
	v4 =	vld [tilespmem:s23+$0x310]  }
0x49: {  	[tilespmem:s23+$0xCA90] =	vst v0;
	v0 =	vld [tilespmem:s23+$0x320]  }
0x4a: {  	[tilespmem:s23+$0xCAA0] =	vst v1;
	v1 =	vld [tilespmem:s23+$0x330]  }
0x4b: {  	[tilespmem:s23+$0xCAB0] =	vst v2;
	v2 =	vld [tilespmem:s23+$0x380]  }
0x4c: {  	[tilespmem:s23+$0xCB00] =	vst v3;
	v3 =	vld [tilespmem:s23+$0x390]  }
0x4d: {  	[tilespmem:s23+$0xCB10] =	vst v4;
	v4 =	vld [tilespmem:s23+$0x3A0]  }
0x4e: {  	[tilespmem:s23+$0xCB20] =	vst v0;
	v0 =	vld [tilespmem:s23+$0x3B0]  }
0x4f: {  	[tilespmem:s23+$0xCB30] =	vst v1;
	v1 =	vld [tilespmem:s23+$0x400]  }
0x50: {  	[tilespmem:s23+$0xCB80] =	vst v2;
	v2 =	vld [tilespmem:s23+$0x410]  }
0x51: {  	[tilespmem:s23+$0xCB90] =	vst v3;
	v3 =	vld [tilespmem:s23+$0x420]  }
0x52: {  	[tilespmem:s23+$0xCBA0] =	vst v4;
	v4 =	vld [tilespmem:s23+$0x430]  }
0x53: {  	[tilespmem:s23+$0xCBB0] =	vst v0;
	v0 =	vld [tilespmem:s23+$0x480]  }
0x54: {  	[tilespmem:s23+$0xCC00] =	vst v1;
	v1 =	vld [tilespmem:s23+$0x490]  }
0x55: {  	[tilespmem:s23+$0xCC10] =	vst v2;
	v2 =	vld [tilespmem:s23+$0x4A0]  }
0x56: {  	[tilespmem:s23+$0xCC20] =	vst v3;
	v3 =	vld [tilespmem:s23+$0x4B0]  }
0x57: {  	[tilespmem:s23+$0xCC30] =	vst v4;
	v4 =	vld [tilespmem:s23+$0x500]  }
0x58: {  	[tilespmem:s23+$0xCC80] =	vst v0;
	v5 =	vld [tilespmem:s23+$0x510]  }
.Ltmp0:
0x59: {  	[tilespmem:s23+$0xCC90] =	vst v1;
	v0 =	vld [tilespmem:s23+$0x520];
	(pc) =	sbr.rel @p0 .LBB2_3-.Ltmp0, $4  }
0x5a: {  	[tilespmem:s23+$0xCCA0] =	vst v2;
	v1 =	vld [tilespmem:s23+$0x530]  }
0x5b: {  	[tilespmem:s23+$0xCCB0] =	vst v3;
	v2 =	vld [tilespmem:s23+$0x580]  }
0x5c: {  	[tilespmem:s23+$0xCD00] =	vst v4;
	v3 =	vld [tilespmem:s23+$0x590]  }
0x5d: {  	s25 =	sshra.s32 s24, $0x2;
	s24 =	sadd.s32 $0x1000, s24;
	[tilespmem:s23+$0xCD10] =	vst v5;
	v4 =	vld [tilespmem:s23+$0x5A0]  }
0x5e: {  	v5 =	vld [tilespmem:s25+$0x5B0];
	[tilespmem:s23+$0xCD20] =	vst v0  }
0x5f: {  	v0 =	vld [tilespmem:s25+$0x200];
	[tilespmem:s23+$0xCD30] =	vst v1  }
0x60: {  	v1 =	vld [tilespmem:s25+$0x210];
	[tilespmem:s23+$0xCD80] =	vst v2  }
0x61: {  	v2 =	vld [tilespmem:s25+$0x220];
	[tilespmem:s23+$0xCD90] =	vst v3  }
0x62: {  	v3 =	vld [tilespmem:s25+$0x230];
	[tilespmem:s23+$0xCDA0] =	vst v4  }
0x63: {  	v4 =	vld [tilespmem:s25+$0x280];
	[tilespmem:s25+$0xCDB0] =	vst v5  }
0x64: {  	[tilespmem:s25+$0xCA00] =	vst v0;
	v0 =	vld [tilespmem:s25+$0x290]  }
0x65: {  	[tilespmem:s25+$0xCA10] =	vst v1;
	v1 =	vld [tilespmem:s25+$0x2A0]  }
0x66: {  	[tilespmem:s25+$0xCA20] =	vst v2;
	v2 =	vld [tilespmem:s25+$0x2B0]  }
0x67: {  	[tilespmem:s25+$0xCA30] =	vst v3;
	v3 =	vld [tilespmem:s25+$0x300]  }
0x68: {  	[tilespmem:s25+$0xCA80] =	vst v4;
	v4 =	vld [tilespmem:s25+$0x310]  }
0x69: {  	[tilespmem:s25+$0xCA90] =	vst v0;
	v0 =	vld [tilespmem:s25+$0x320]  }
0x6a: {  	[tilespmem:s25+$0xCAA0] =	vst v1;
	v1 =	vld [tilespmem:s25+$0x330]  }
0x6b: {  	[tilespmem:s25+$0xCAB0] =	vst v2;
	v2 =	vld [tilespmem:s25+$0x380]  }
0x6c: {  	[tilespmem:s25+$0xCB00] =	vst v3;
	v3 =	vld [tilespmem:s25+$0x390]  }
0x6d: {  	[tilespmem:s25+$0xCB10] =	vst v4;
	v4 =	vld [tilespmem:s25+$0x3A0]  }
0x6e: {  	[tilespmem:s25+$0xCB20] =	vst v0;
	v0 =	vld [tilespmem:s25+$0x3B0]  }
0x6f: {  	[tilespmem:s25+$0xCB30] =	vst v1;
	v1 =	vld [tilespmem:s25+$0x400]  }
0x70: {  	[tilespmem:s25+$0xCB80] =	vst v2;
	v2 =	vld [tilespmem:s25+$0x410]  }
0x71: {  	[tilespmem:s25+$0xCB90] =	vst v3;
	v3 =	vld [tilespmem:s25+$0x420]  }
0x72: {  	[tilespmem:s25+$0xCBA0] =	vst v4;
	v4 =	vld [tilespmem:s25+$0x430]  }
0x73: {  	[tilespmem:s25+$0xCBB0] =	vst v0;
	v0 =	vld [tilespmem:s25+$0x480]  }
0x74: {  	[tilespmem:s25+$0xCC00] =	vst v1;
	v1 =	vld [tilespmem:s25+$0x490]  }
0x75: {  	[tilespmem:s25+$0xCC10] =	vst v2;
	v2 =	vld [tilespmem:s25+$0x4A0]  }
0x76: {  	[tilespmem:s25+$0xCC20] =	vst v3;
	v3 =	vld [tilespmem:s25+$0x4B0]  }
0x77: {  	[tilespmem:s25+$0xCC30] =	vst v4;
	v4 =	vld [tilespmem:s25+$0x500]  }
0x78: {  	[tilespmem:s25+$0xCC80] =	vst v0;
	v0 =	vld [tilespmem:s25+$0x510]  }
0x79: {  	[tilespmem:s25+$0xCC90] =	vst v1;
	v1 =	vld [tilespmem:s25+$0x520]  }
0x7a: {  	[tilespmem:s25+$0xCCA0] =	vst v2;
	v2 =	vld [tilespmem:s25+$0x530]  }
0x7b: {  	[tilespmem:s25+$0xCCB0] =	vst v3;
	v3 =	vld [tilespmem:s25+$0x580]  }
0x7c: {  	[tilespmem:s25+$0xCD00] =	vst v4;
	v4 =	vld [tilespmem:s25+$0x590]  }
0x7d: {  	[tilespmem:s25+$0xCD10] =	vst v0;
	v0 =	vld [tilespmem:s25+$0x5A0]  }
0x7e: {  	[tilespmem:s25+$0xCD20] =	vst v1  }
0x7f: {  	s31 =	sadd.s32 s6, s22;
	[tilespmem:s25+$0xCD30] =	vst v2  }
0x80: {  	s23 =	smul.u32 $0xC80, s31;
	[tilespmem:s25+$0xCD80] =	vst v3  }
0x81: {  	p0 =	seq.s32 s20, $0x3F;
	[tilespmem:s25+$0xCD90] =	vst v4  }
0x82: {  	s22 =	sadd.s32 @!p0 s22, s8;
	s23 =	sadd.s32 s5, s23;
	[tilespmem:s25+$0xCDA0] =	vst v0  }
0x83: {  	[hbm4b:s23+s4] =	stream.linear.scatter [tilespmem:s17], [sflag:$0x3], $0x6400, $0x38;
	[tilespmem:$0x12E00] =	vst v63  }
0x84: {  	s22 =	smul.u32 @!p0 $0x19, s22;
	_ =	swait.ge [sflag:s11], $0x6400  }
0x85: {  	[sflag:s11] =	ssyncset.done $0x0  }
0x86: {  	s22 =	sadd.s32 @!p0 s3, s22;
	s23 =	simm.s32 @!p0 $0x0;
	[sflag:s11] =	ssyncadd.s32 $0xFFFF9C00  }
0x87: {  	[tilespmem:s23], [sflag:$0x3] =	stream.linear.gather @!p0 [hbm4b:s22+s23], $0xC8, $0x38;
	[tilespmem:$0x12E00] =	vst v63  }
0x88: {  	s22 =	simm.s32 @!p0 $0x3  }
0x89: {  	_ =	swait.ge @!p0 [sflag:s22], $0xC8  }
0x8a: {  	[sflag:s22] =	ssyncset.done @!p0 $0x0  }
0x8b: {  	s24 =	simm.s32 @!p0 $0x200;
	[sflag:s22] =	ssyncadd.s32 @!p0 $0xFFFFFF38;
	s22 =	simm.s32 @!p0 $0xC8  }
0x8c: {  	[tilespmem:s24], [sflag:$0x1] =	stream.indirect.gather @!p0 [hbm4b:s1+s22], $0x80, s23, s22, $0xb8;
	[tilespmem:$0x12E00] =	vst v63  }
0x8d: {  	_ =	swait.ge [sflag:s18], $0x6400  }
0x8e: {  	[sflag:s18] =	ssyncset.done $0x0  }
0x8f: {  	s22 =	simm.s32 $0x0;
	[sflag:s18] =	ssyncadd.s32 $0xFFFF9C00  }
0x90: {  	v0 =	vld [tilespmem:s22+$0x69B0]  }
0x91: {  	v1 =	vld [tilespmem:s22+$0x6600]  }
0x92: {  	v2 =	vld [tilespmem:s22+$0x6610]  }
0x93: {  	v3 =	vld [tilespmem:s22+$0x6620]  }
0x94: {  	v4 =	vld [tilespmem:s22+$0x6630]  }
0x95: {  	v5 =	vld [tilespmem:s22+$0x6680];
	[tilespmem:s22+$0xCDB0] =	vst v0  }
0x96: {  	[tilespmem:s22+$0xCA00] =	vst v1;
	v0 =	vld [tilespmem:s22+$0x6690]  }
0x97: {  	[tilespmem:s22+$0xCA10] =	vst v2;
	v1 =	vld [tilespmem:s22+$0x66A0]  }
0x98: {  	[tilespmem:s22+$0xCA20] =	vst v3;
	v2 =	vld [tilespmem:s22+$0x66B0]  }
0x99: {  	[tilespmem:s22+$0xCA30] =	vst v4;
	v3 =	vld [tilespmem:s22+$0x6700]  }
0x9a: {  	[tilespmem:s22+$0xCA80] =	vst v5;
	v4 =	vld [tilespmem:s22+$0x6710]  }
0x9b: {  	v5 =	vld [tilespmem:s22+$0x6910];
	[tilespmem:s22+$0xCA90] =	vst v0  }
0x9c: {  	v0 =	vld [tilespmem:s22+$0x6720];
	[tilespmem:s22+$0xCAA0] =	vst v1  }
0x9d: {  	v1 =	vld [tilespmem:s22+$0x6730];
	[tilespmem:s22+$0xCAB0] =	vst v2  }
0x9e: {  	v2 =	vld [tilespmem:s22+$0x6780];
	[tilespmem:s22+$0xCB00] =	vst v3  }
0x9f: {  	v3 =	vld [tilespmem:s22+$0x6790];
	[tilespmem:s22+$0xCB10] =	vst v4  }
0xa0: {  	v4 =	vld [tilespmem:s22+$0x67A0];
	[tilespmem:s22+$0xCD10] =	vst v5  }
0xa1: {  	[tilespmem:s22+$0xCB20] =	vst v0;
	v0 =	vld [tilespmem:s22+$0x67B0]  }
0xa2: {  	[tilespmem:s22+$0xCB30] =	vst v1;
	v1 =	vld [tilespmem:s22+$0x6800]  }
0xa3: {  	[tilespmem:s22+$0xCB80] =	vst v2;
	v2 =	vld [tilespmem:s22+$0x6810]  }
0xa4: {  	[tilespmem:s22+$0xCB90] =	vst v3;
	v3 =	vld [tilespmem:s22+$0x6820]  }
0xa5: {  	[tilespmem:s22+$0xCBA0] =	vst v4;
	v4 =	vld [tilespmem:s22+$0x6830]  }
0xa6: {  	[tilespmem:s22+$0xCBB0] =	vst v0;
	v0 =	vld [tilespmem:s22+$0x6880]  }
0xa7: {  	[tilespmem:s22+$0xCC00] =	vst v1;
	v1 =	vld [tilespmem:s22+$0x6890]  }
0xa8: {  	[tilespmem:s22+$0xCC10] =	vst v2;
	v2 =	vld [tilespmem:s22+$0x68A0]  }
0xa9: {  	[tilespmem:s22+$0xCC20] =	vst v3;
	v3 =	vld [tilespmem:s22+$0x68B0]  }
0xaa: {  	[tilespmem:s22+$0xCC30] =	vst v4;
	v4 =	vld [tilespmem:s22+$0x6900]  }
0xab: {  	[tilespmem:s22+$0xCC80] =	vst v0;
	v0 =	vld [tilespmem:s22+$0x6920]  }
0xac: {  	[tilespmem:s22+$0xCC90] =	vst v1;
	v1 =	vld [tilespmem:s22+$0x6930]  }
0xad: {  	[tilespmem:s22+$0xCCA0] =	vst v2;
	v2 =	vld [tilespmem:s22+$0x6980]  }
0xae: {  	[tilespmem:s22+$0xCCB0] =	vst v3;
	v3 =	vld [tilespmem:s22+$0x6990]  }
0xaf: {  	s24 =	simm.s32 $0x400;
	s23 =	simm.s32 $0x2000;
	[tilespmem:s22+$0xCD00] =	vst v4;
	v4 =	vld [tilespmem:s22+$0x69A0]  }
.LBB2_5:
0xb0: {  	p0 =	sne.s32 s23, $0x18000;
	v5 =	vld [tilespmem:s24+$0x69B0];
	[tilespmem:s22+$0xCD20] =	vst v0  }
0xb1: {  	v0 =	vld [tilespmem:s24+$0x6600];
	[tilespmem:s22+$0xCD30] =	vst v1  }
0xb2: {  	v1 =	vld [tilespmem:s24+$0x6610];
	[tilespmem:s22+$0xCD80] =	vst v2  }
0xb3: {  	v2 =	vld [tilespmem:s24+$0x6620];
	[tilespmem:s22+$0xCD90] =	vst v3  }
0xb4: {  	v3 =	vld [tilespmem:s24+$0x6630];
	[tilespmem:s22+$0xCDA0] =	vst v4;
	s22 =	smov.u32 s24  }
0xb5: {  	v4 =	vld [tilespmem:s22+$0x6680];
	[tilespmem:s22+$0xCDB0] =	vst v5  }
0xb6: {  	[tilespmem:s22+$0xCA00] =	vst v0;
	v0 =	vld [tilespmem:s22+$0x6690]  }
0xb7: {  	[tilespmem:s22+$0xCA10] =	vst v1;
	v1 =	vld [tilespmem:s22+$0x66A0]  }
0xb8: {  	[tilespmem:s22+$0xCA20] =	vst v2;
	v2 =	vld [tilespmem:s22+$0x66B0]  }
0xb9: {  	[tilespmem:s22+$0xCA30] =	vst v3;
	v3 =	vld [tilespmem:s22+$0x6700]  }
0xba: {  	[tilespmem:s22+$0xCA80] =	vst v4;
	v4 =	vld [tilespmem:s22+$0x6710]  }
0xbb: {  	[tilespmem:s22+$0xCA90] =	vst v0;
	v0 =	vld [tilespmem:s22+$0x6720]  }
0xbc: {  	[tilespmem:s22+$0xCAA0] =	vst v1;
	v1 =	vld [tilespmem:s22+$0x6730]  }
0xbd: {  	[tilespmem:s22+$0xCAB0] =	vst v2;
	v2 =	vld [tilespmem:s22+$0x6780]  }
0xbe: {  	[tilespmem:s22+$0xCB00] =	vst v3;
	v3 =	vld [tilespmem:s22+$0x6790]  }
0xbf: {  	[tilespmem:s22+$0xCB10] =	vst v4;
	v4 =	vld [tilespmem:s22+$0x67A0]  }
0xc0: {  	[tilespmem:s22+$0xCB20] =	vst v0;
	v0 =	vld [tilespmem:s22+$0x67B0]  }
0xc1: {  	[tilespmem:s22+$0xCB30] =	vst v1;
	v1 =	vld [tilespmem:s22+$0x6800]  }
0xc2: {  	[tilespmem:s22+$0xCB80] =	vst v2;
	v2 =	vld [tilespmem:s22+$0x6810]  }
0xc3: {  	[tilespmem:s22+$0xCB90] =	vst v3;
	v3 =	vld [tilespmem:s22+$0x6820]  }
0xc4: {  	[tilespmem:s22+$0xCBA0] =	vst v4;
	v4 =	vld [tilespmem:s22+$0x6830]  }
0xc5: {  	[tilespmem:s22+$0xCBB0] =	vst v0;
	v0 =	vld [tilespmem:s22+$0x6880]  }
0xc6: {  	[tilespmem:s22+$0xCC00] =	vst v1;
	v1 =	vld [tilespmem:s22+$0x6890]  }
0xc7: {  	[tilespmem:s22+$0xCC10] =	vst v2;
	v2 =	vld [tilespmem:s22+$0x68A0]  }
0xc8: {  	[tilespmem:s22+$0xCC20] =	vst v3;
	v3 =	vld [tilespmem:s22+$0x68B0]  }
0xc9: {  	[tilespmem:s22+$0xCC30] =	vst v4;
	v4 =	vld [tilespmem:s22+$0x6900]  }
0xca: {  	[tilespmem:s22+$0xCC80] =	vst v0;
	v5 =	vld [tilespmem:s22+$0x6910]  }
.Ltmp1:
0xcb: {  	[tilespmem:s22+$0xCC90] =	vst v1;
	v0 =	vld [tilespmem:s22+$0x6920];
	(pc) =	sbr.rel @p0 .LBB2_5-.Ltmp1, $4  }
0xcc: {  	[tilespmem:s22+$0xCCA0] =	vst v2;
	v1 =	vld [tilespmem:s22+$0x6930]  }
0xcd: {  	[tilespmem:s22+$0xCCB0] =	vst v3;
	v2 =	vld [tilespmem:s22+$0x6980]  }
0xce: {  	[tilespmem:s22+$0xCD00] =	vst v4;
	v3 =	vld [tilespmem:s22+$0x6990]  }
0xcf: {  	s24 =	sshra.s32 s23, $0x2;
	s23 =	sadd.s32 $0x1000, s23;
	[tilespmem:s22+$0xCD10] =	vst v5;
	v4 =	vld [tilespmem:s22+$0x69A0]  }
0xd0: {  	v5 =	vld [tilespmem:s24+$0x69B0];
	[tilespmem:s22+$0xCD20] =	vst v0  }
0xd1: {  	v0 =	vld [tilespmem:s24+$0x6600];
	[tilespmem:s22+$0xCD30] =	vst v1  }
0xd2: {  	v1 =	vld [tilespmem:s24+$0x6610];
	[tilespmem:s22+$0xCD80] =	vst v2  }
0xd3: {  	v2 =	vld [tilespmem:s24+$0x6620];
	[tilespmem:s22+$0xCD90] =	vst v3  }
0xd4: {  	v3 =	vld [tilespmem:s24+$0x6630];
	[tilespmem:s22+$0xCDA0] =	vst v4  }
0xd5: {  	v4 =	vld [tilespmem:s24+$0x6680];
	[tilespmem:s24+$0xCDB0] =	vst v5  }
0xd6: {  	v38 =	vld [tilespmem:s24+$0x6690];
	[tilespmem:s24+$0xCA00] =	vst v0  }
0xd7: {  	v39 =	vld [tilespmem:s24+$0x66A0];
	[tilespmem:s24+$0xCA10] =	vst v1  }
0xd8: {  	v40 =	vld [tilespmem:s24+$0x66B0];
	[tilespmem:s24+$0xCA20] =	vst v2  }
0xd9: {  	v41 =	vld [tilespmem:s24+$0x6700];
	[tilespmem:s24+$0xCA30] =	vst v3  }
0xda: {  	v42 =	vld [tilespmem:s24+$0x6710];
	[tilespmem:s24+$0xCA80] =	vst v4  }
0xdb: {  	v43 =	vld [tilespmem:s24+$0x6720];
	[tilespmem:s24+$0xCA90] =	vst v38  }
0xdc: {  	v44 =	vld [tilespmem:s24+$0x6730];
	[tilespmem:s24+$0xCAA0] =	vst v39  }
0xdd: {  	v45 =	vld [tilespmem:s24+$0x6780];
	[tilespmem:s24+$0xCAB0] =	vst v40  }
0xde: {  	v46 =	vld [tilespmem:s24+$0x6790];
	[tilespmem:s24+$0xCB00] =	vst v41  }
0xdf: {  	v47 =	vld [tilespmem:s24+$0x67A0];
	[tilespmem:s24+$0xCB10] =	vst v42  }
0xe0: {  	v48 =	vld [tilespmem:s24+$0x67B0];
	[tilespmem:s24+$0xCB20] =	vst v43  }
0xe1: {  	v49 =	vld [tilespmem:s24+$0x6800];
	[tilespmem:s24+$0xCB30] =	vst v44  }
0xe2: {  	v50 =	vld [tilespmem:s24+$0x6810];
	[tilespmem:s24+$0xCB80] =	vst v45  }
0xe3: {  	v51 =	vld [tilespmem:s24+$0x6820];
	[tilespmem:s24+$0xCB90] =	vst v46  }
0xe4: {  	v52 =	vld [tilespmem:s24+$0x6830];
	[tilespmem:s24+$0xCBA0] =	vst v47  }
0xe5: {  	v53 =	vld [tilespmem:s24+$0x6880];
	[tilespmem:s24+$0xCBB0] =	vst v48  }
0xe6: {  	v54 =	vld [tilespmem:s24+$0x6890];
	[tilespmem:s24+$0xCC00] =	vst v49  }
0xe7: {  	v55 =	vld [tilespmem:s24+$0x68A0];
	[tilespmem:s24+$0xCC10] =	vst v50  }
0xe8: {  	v56 =	vld [tilespmem:s24+$0x68B0];
	[tilespmem:s24+$0xCC20] =	vst v51  }
0xe9: {  	v57 =	vld [tilespmem:s24+$0x6900];
	[tilespmem:s24+$0xCC30] =	vst v52  }
0xea: {  	v58 =	vld [tilespmem:s24+$0x6910];
	[tilespmem:s24+$0xCC80] =	vst v53  }
0xeb: {  	v59 =	vld [tilespmem:s24+$0x6920];
	[tilespmem:s24+$0xCC90] =	vst v54  }
0xec: {  	v60 =	vld [tilespmem:s24+$0x6930];
	[tilespmem:s24+$0xCCA0] =	vst v55  }
0xed: {  	v61 =	vld [tilespmem:s24+$0x6980];
	[tilespmem:s24+$0xCCB0] =	vst v56  }
0xee: {  	v62 =	vld [tilespmem:s24+$0x6990];
	[tilespmem:s24+$0xCD00] =	vst v57  }
0xef: {  	v63 =	vld [tilespmem:s24+$0x69A0];
	[tilespmem:s24+$0xCD10] =	vst v58  }
0xf0: {  	[tilespmem:s24+$0xCD20] =	vst v59  }
0xf1: {  	[tilespmem:s24+$0xCD30] =	vst v60  }
0xf2: {  	s21 =	smul.u32 $0xC80, s21;
	s20 =	sadd.s32 $0x1, s20;
	[tilespmem:s24+$0xCD80] =	vst v61  }
0xf3: {  	p0 =	sne.s32 s20, $0x40;
	[tilespmem:s24+$0xCD90] =	vst v62  }
.Ltmp2:
0xf4: {  	s21 =	sadd.s32 s5, s21;
	[tilespmem:s24+$0xCDA0] =	vst v63;
	(pc) =	sbr.rel @p0 .LBB2_2-.Ltmp2, $4  }
0xf5: {  	[hbm4b:s21+s4] =	stream.linear.scatter [tilespmem:s17], [sflag:$0x3], $0x6400, $0x38;
	[tilespmem:$0x12E00] =	vst v63  }
0xf6: {  	_ =	swait.ge [sflag:s11], $0x6400  }
0xf7: {  	[sflag:s11] =	ssyncset.done $0x0  }
0xf8: {  	[sflag:s11] =	ssyncadd.s32 $0xFFFF9C00  }
0xf9: {  	s19 =	sadd.s32 $0x1, s19  }
0xfa: {  	p0 =	sne.s32 s19, s9  }
.Ltmp3:
0xfb: {  	_ = 	snop;
	(pc) =	sbr.rel @p0 .LBB2_1-.Ltmp3, $1  }
0xfc: {  	_ =	sdelay $0x3  }
0xfd: {  	_ =	sfence.sel $0x180000  }
0xfe: {  	[bflag:$0x0] =	sbarrier.arrive $0xFFFF  }
0xff: {  	p0 =	sne.s32 s0, $0x0;
	_ =	strace $0x90000047  }
0x100: {  	s0 =	sadd.s32 @!p0 $0x100000, s2;
	[bflag:$0x2] =	sbarrier.arrive $0xFFFF  }
0x101: {  	[sflag:s0] =	ssyncadd.tile.s32 @!p0 $0x1;
	_ =	shalt  }
.Lfunc_end2:
_tile_overlayer_lowered:
.L_overlay_start_2:
0x102: {  	(tag) =	ssettag $0x2  }
0x103: {  	s0 =	rddreg [dreg:$0x0];
	s2 =	stileid.u32  }
0x104: {  	s1 =	rddreg [dreg:$0x1];
	p0 =	sne.s32 s2, $0x0  }
0x105: {  	s3 =	rddreg [dreg:$0x2];
	[bflag:$0x3] =	sbarrier.arrive $0xFFFF;
	s2 =	simm.s32 @!p0 $0x1C03  }
0x106: {  	[timem:s3], [sflag:s2] =	dma.local @!p0 [hbm:s0], s1  }
0x107: {  	s0 =	simm.s32 @!p0 $0x3  }
0x108: {  	_ =	swait.ge @!p0 [sflag:s0], s1  }
0x109: {  	s1 =	ssub.s32 @!p0 $0x0, s1;
	[sflag:s0] =	ssyncset.done @!p0 $0x0  }
0x10a: {  	[sflag:s0] =	ssyncadd.s32 @!p0 s1  }
0x10b: {  	[bflag:$0x3] =	sbarrier.arrive $0xFFFF  }
0x10c: {  	_ =	shalt  }

</sc_bundles>
